<compile_context>
chip_gen: v7x
topology: tpu7x:2x2x1
jax: 0.10.2.dev20260603
libtpu: 0.0.44.dev20260713+nightly
codegen_flags: <defaults>
</compile_context>

<pallas_src>
import functools

import jax
import jax.numpy as jnp
import numpy as np
from jax import lax
from jax.experimental import pallas as pl
from jax.experimental.pallas import tpu as pltpu
from jax.experimental.pallas import tpu_sc as plsc

_B = 16384
_EMB = 16
_NCO = 13
_NF = (13, 5, 5, 5, 1)
_D = 29 * _EMB
_NC = 2
_NS = 16
_NW = _NC * _NS
_BPW = _B // _NW
_CHUNK = 128
_FIRE = 4
_M = 512

_GRP_CHUNKS = tuple(nf * _BPW // _CHUNK for nf in _NF)
_MAXC = max(_GRP_CHUNKS)

def _mk_rep(nf):
    r = np.zeros((nf, nf * _EMB), np.float32)
    for j in range(nf):
        r[j, j * _EMB:(j + 1) * _EMB] = 1.0
    return r

_R13 = _mk_rep(13)
_R5 = _mk_rep(5)[:, :80]
_S13 = np.tile(np.eye(_EMB, dtype=np.float32), (13, 1))
_S5 = np.tile(np.eye(_EMB, dtype=np.float32), (5, 1))


def _sc_gather(idx_groups, tables):
    mesh = plsc.VectorSubcoreMesh(core_axis_name="c", subcore_axis_name="s")
    out_type = tuple(
        jax.ShapeDtypeStruct((_B * nf, _EMB), jnp.float32) for nf in _NF
    )

    @functools.partial(
        pl.kernel,
        out_type=out_type,
        mesh=mesh,
        scratch_types=[
            pltpu.VMEM((_MAXC, _CHUNK), jnp.int32),
            pltpu.VMEM((_MAXC * _CHUNK, _EMB), jnp.float32),
            pltpu.SemaphoreType.DMA,
        ],
        compiler_params=pltpu.CompilerParams(use_tc_tiling_on_sc=False),
    )
    def gather_k(i0, i1, i2, i3, i4, t0, t1, t2, t3, t4,
                 o0, o1, o2, o3, o4, idx_v, rows_v, sem):
        cid = lax.axis_index("c")
        sid = lax.axis_index("s")
        wid = sid * _NC + cid
        idxs = (i0, i1, i2, i3, i4)
        tbls = (t0, t1, t2, t3, t4)
        outs = (o0, o1, o2, o3, o4)
        for g in range(5):
            nch = _GRP_CHUNKS[g]
            nf = _NF[g]
            tbl = tbls[g]
            pltpu.sync_copy(idxs[g].at[wid], idx_v.at[pl.ds(0, nch)])

            def body(it, carry, tbl=tbl):
                cps = [
                    pltpu.async_copy(
                        tbl.at[idx_v.at[it * _FIRE + b]],
                        rows_v.at[pl.ds((it * _FIRE + b) * _CHUNK, _CHUNK)],
                        sem,
                    )
                    for b in range(_FIRE)
                ]
                for cp in cps:
                    cp.wait()
                return carry

            lax.fori_loop(0, nch // _FIRE, body, 0)
            pltpu.sync_copy(rows_v.at[pl.ds(0, nch * _CHUNK)],
                            outs[g].at[pl.ds(wid * nf * _BPW, nf * _BPW)])

    return gather_k(*idx_groups, *tables)


def _tc_body(gco, gt0, gt1, gt2, gt3, xi_co, xv, fco,
             w1a, w1b, w1c, w1d, w1e, b1, w2, b2, w3, b3, w4, b4,
             r13, r5, s13, s5, wf0, wfs, wfd, bfc, out):
    f32 = jnp.float32
    xv_b = xv[...]
    xvco = xv_b[:, 0:13]
    h_co = gco[...] * jnp.dot(xvco, r13[...], preferred_element_type=f32)
    h_t0 = gt0[...] * jnp.dot(xv_b[:, 13:18], r5[...], preferred_element_type=f32)
    h_t1 = gt1[...] * jnp.dot(xv_b[:, 18:23], r5[...], preferred_element_type=f32)
    h_t2 = gt2[...] * jnp.dot(xv_b[:, 23:28], r5[...], preferred_element_type=f32)
    h_t3 = gt3[...] * xv_b[:, 28:29]

    summed = (jnp.dot(h_co, s13[...], preferred_element_type=f32)
              + jnp.dot(h_t0, s5[...], preferred_element_type=f32)
              + jnp.dot(h_t1, s5[...], preferred_element_type=f32)
              + jnp.dot(h_t2, s5[...], preferred_element_type=f32)
              + h_t3)
    sq = (jnp.dot(h_co * h_co, s13[...], preferred_element_type=f32)
          + jnp.dot(h_t0 * h_t0, s5[...], preferred_element_type=f32)
          + jnp.dot(h_t1 * h_t1, s5[...], preferred_element_type=f32)
          + jnp.dot(h_t2 * h_t2, s5[...], preferred_element_type=f32)
          + h_t3 * h_t3)
    y2 = 0.5 * (summed * summed - sq)

    z = (jnp.dot(h_co, w1a[...], preferred_element_type=f32)
         + jnp.dot(h_t0, w1b[...], preferred_element_type=f32)
         + jnp.dot(h_t1, w1c[...], preferred_element_type=f32)
         + jnp.dot(h_t2, w1d[...], preferred_element_type=f32)
         + jnp.dot(h_t3, w1e[...], preferred_element_type=f32)
         + b1[...])
    h1 = jnp.maximum(z, 0.0)
    h2 = jnp.maximum(jnp.dot(h1, w2[...], preferred_element_type=f32) + b2[...], 0.0)
    h3 = jnp.maximum(jnp.dot(h2, w3[...], preferred_element_type=f32) + b3[...], 0.0)
    yd = jnp.dot(h3, w4[...], preferred_element_type=f32) + b4[...]

    xi_b = xi_co[...]
    acc = jnp.zeros((_M, _NCO), f32)
    for k in range(14):
        acc = acc + jnp.where(xi_b == k, fco[k], 0.0)
    y1 = jnp.sum(acc * xvco, axis=1, keepdims=True)

    res = (y1 * wf0[0]
           + jnp.sum(y2 * wfs[...], axis=1, keepdims=True)
           + jnp.sum(yd * wfd[...], axis=1, keepdims=True)
           + bfc[0])
    out[...] = res


def _tc_forward(gco, gt0, gt1, gt2, gt3, xi_co, xv, fco,
                w1a, w1b, w1c, w1d, w1e, b1, w2, b2, w3, b3, w4, b4,
                wf0, wfs, wfd, bfc):
    grid = (_B // _M,)

    def batch_spec(width):
        return pl.BlockSpec((_M, width), lambda i: (i, 0))

    def full_spec(shape):
        nd = len(shape)
        return pl.BlockSpec(shape, lambda i: (0,) * nd)

    smem = pl.BlockSpec(memory_space=pltpu.SMEM)

    in_specs = [
        batch_spec(13 * _EMB), batch_spec(80), batch_spec(80), batch_spec(80),
        batch_spec(_EMB),
        batch_spec(13),
        batch_spec(29),
        smem,
        full_spec((208, _D)), full_spec((80, _D)), full_spec((80, _D)),
        full_spec((80, _D)), full_spec((16, _D)), full_spec((1, _D)),
        full_spec((_D, _D)), full_spec((1, _D)),
        full_spec((_D, _D)), full_spec((1, _D)),
        full_spec((_D, _EMB)), full_spec((1, _EMB)),
        full_spec((13, 208)), full_spec((5, 80)),
        full_spec((208, _EMB)), full_spec((80, _EMB)),
        smem,
        full_spec((1, _EMB)), full_spec((1, _EMB)),
        smem,
    ]

    return pl.pallas_call(
        _tc_body,
        grid=grid,
        in_specs=in_specs,
        out_specs=pl.BlockSpec((_M, 1), lambda i: (i, 0)),
        out_shape=jax.ShapeDtypeStruct((_B, 1), jnp.float32),
        compiler_params=pltpu.CompilerParams(
            dimension_semantics=("arbitrary",),
        ),
    )(gco, gt0, gt1, gt2, gt3, xi_co, xv, fco,
      w1a, w1b, w1c, w1d, w1e, b1, w2, b2, w3, b3, w4, b4,
      jnp.asarray(_R13), jnp.asarray(_R5), jnp.asarray(_S13), jnp.asarray(_S5),
      wf0, wfs, wfd, bfc)


def kernel(xi, xv, first_co_emb, first_ca_emb0, first_ca_emb1, first_ca_emb2,
           first_ca_emb3, second_co_emb, second_ca_emb0, second_ca_emb1,
           second_ca_emb2, second_ca_emb3, W1, b1, W2, b2, W3, b3, W4, b4,
           Wfc, bfc):
    del first_ca_emb0, first_ca_emb1, first_ca_emb2, first_ca_emb3
    xi32 = xi.astype(jnp.int32)
    idx_groups = [
        xi32[:, 0:13].reshape(_NW, -1, _CHUNK),
        xi32[:, 13:18].reshape(_NW, -1, _CHUNK),
        xi32[:, 18:23].reshape(_NW, -1, _CHUNK),
        xi32[:, 23:28].reshape(_NW, -1, _CHUNK),
        xi32[:, 28:29].reshape(_NW, -1, _CHUNK),
    ]
    tables = [second_co_emb, second_ca_emb0, second_ca_emb1, second_ca_emb2,
              second_ca_emb3]
    g = _sc_gather(idx_groups, tables)
    gco = g[0].reshape(_B, 13 * _EMB)
    gt0 = g[1].reshape(_B, 80)
    gt1 = g[2].reshape(_B, 80)
    gt2 = g[3].reshape(_B, 80)
    gt3 = g[4].reshape(_B, _EMB)

    w1a = W1[0:208]
    w1b = W1[208:288]
    w1c = W1[288:368]
    w1d = W1[368:448]
    w1e = W1[448:464]
    wf0 = Wfc[0, :]
    wfs = Wfc[1:17, 0].reshape(1, _EMB)
    wfd = Wfc[17:33, 0].reshape(1, _EMB)

    return _tc_forward(
        gco, gt0, gt1, gt2, gt3, xi32[:, 0:13], xv,
        first_co_emb.reshape(-1),
        w1a, w1b, w1c, w1d, w1e, b1.reshape(1, _D),
        W2, b2.reshape(1, _D), W3, b3.reshape(1, _D),
        W4, b4.reshape(1, _EMB),
        wf0, wfs, wfd, bfc)

# --- scband reference (transcript-rebuilt; emitter-appended) ---
"""Pipeline reference for scband-deep-fm-52510270161613 (READ-ONLY COPY).

The authoritative reference and input builder live on the scoring server;
editing this copy changes nothing except your own understanding.
"""

import jax, jax.numpy as jnp
import numpy as np

CO = 13
FN = [13, 18, 23, 28, 29]
EMB = 16
B = 16384
VOCABS = [1000000, 100000, 1000, 100]
D = 29 * EMB


def setup_inputs(seed: int = 0):
    key = jax.random.key(seed)
    ks = jax.random.split(key, 24)
    col_max = [CO + 1] * CO + [VOCABS[0]] * 5 + [VOCABS[1]] * 5 + [VOCABS[2]] * 5 + [VOCABS[3]]
    rng = np.random.default_rng(0)
    xi = jnp.asarray(np.stack([rng.integers(0, m, size=B) for m in col_max], axis=1).astype(np.int64))
    xv = jax.random.uniform(ks[0], (B, 29), dtype=jnp.float32)
    p = {"xi": xi, "xv": xv}
    p["first_co_emb"] = jax.random.normal(ks[1], (CO + 1, 1), dtype=jnp.float32) * 0.05
    p["second_co_emb"] = jax.random.normal(ks[2], (CO + 1, EMB), dtype=jnp.float32) * 0.05
    for i, V in enumerate(VOCABS):
        p["first_ca_emb%d" % i] = jax.random.normal(ks[3 + i], (V, EMB), dtype=jnp.float32) * 0.05
        p["second_ca_emb%d" % i] = jax.random.normal(ks[7 + i], (V, EMB), dtype=jnp.float32) * 0.05
    s = 1.0 / float(np.sqrt(D))
    p["W1"] = jax.random.normal(ks[11], (D, D), dtype=jnp.float32) * s
    p["b1"] = jnp.zeros((D,), dtype=jnp.float32)
    p["W2"] = jax.random.normal(ks[12], (D, D), dtype=jnp.float32) * s
    p["b2"] = jnp.zeros((D,), dtype=jnp.float32)
    p["W3"] = jax.random.normal(ks[13], (D, D), dtype=jnp.float32) * s
    p["b3"] = jnp.zeros((D,), dtype=jnp.float32)
    p["W4"] = jax.random.normal(ks[14], (D, EMB), dtype=jnp.float32) * s
    p["b4"] = jnp.zeros((EMB,), dtype=jnp.float32)
    p["Wfc"] = jax.random.normal(ks[15], (2 * EMB + 1, 1), dtype=jnp.float32) * 0.05
    p["bfc"] = jnp.zeros((1,), dtype=jnp.float32)
    return p


def _forward(xi, xv, first_co_emb, first_ca, second_co_emb, second_ca, W1, b1, W2, b2, W3, b3, W4, b4, Wfc, bfc):
    # first-order continuous part
    first_co_value = jnp.take(first_co_emb, xi[:, :CO], axis=0) * xv[:, :CO, None]
    fvals = []
    for i in range(4):
        e = jnp.take(first_ca[i], xi[:, FN[i]:FN[i + 1]], axis=0)
        fvals.append(e * xv[:, FN[i]:FN[i + 1], None])
    first_ca_value = jnp.sum(jnp.concatenate(fvals, axis=1), axis=2)[..., None]
    first_value = jnp.concatenate((first_co_value, first_ca_value), axis=1)  # computed in torch ref, unused
    y_first_order = jnp.sum(first_co_value, axis=1)
    # second-order embeddings
    second_co_value = jnp.take(second_co_emb, xi[:, :CO], axis=0) * xv[:, :CO, None]
    svals = []
    for i in range(4):
        e = jnp.take(second_ca[i], xi[:, FN[i]:FN[i + 1]], axis=0)
        svals.append(e * xv[:, FN[i]:FN[i + 1], None])
    second_value = jnp.concatenate([second_co_value] + svals, axis=1)
    summed_feat_emb = jnp.sum(second_value, axis=1)
    interaction_part1 = summed_feat_emb ** 2
    interaction_part2 = jnp.sum(second_value ** 2, axis=1)
    y_secd_order = 0.5 * (interaction_part1 - interaction_part2)
    # deep part
    h = second_value.reshape(-1, D)
    h = jax.nn.relu(h @ W1 + b1)
    h = jax.nn.relu(h @ W2 + b2)
    h = jax.nn.relu(h @ W3 + b3)
    y_deep = h @ W4 + b4
    concat_input = jnp.concatenate((y_first_order, y_secd_order, y_deep), axis=1)
    return concat_input @ Wfc + bfc


def reference(xi, xv, first_co_emb, first_ca_emb0, first_ca_emb1, first_ca_emb2, first_ca_emb3, second_co_emb, second_ca_emb0, second_ca_emb1, second_ca_emb2, second_ca_emb3, W1, b1, W2, b2, W3, b3, W4, b4, Wfc, bfc):
    first_ca = (first_ca_emb0, first_ca_emb1, first_ca_emb2, first_ca_emb3)
    second_ca = (second_ca_emb0, second_ca_emb1, second_ca_emb2, second_ca_emb3)
    return _forward(xi, xv, first_co_emb, first_ca, second_co_emb, second_ca, W1, b1, W2, b2, W3, b3, W4, b4, Wfc, bfc)

if __name__ == "__main__":
    import jax
    _d = setup_inputs()
    print(jax.jit(kernel)(*tuple(_d.values())))

</pallas_src>

<mosaic_0001>
#map = affine_map<(d0, d1) -> (0, 0, 0)>
#map1 = affine_map<(d0, d1) -> (0, 0)>
module attributes {stable_mosaic.version = 14 : i64} {
  func.func @gather_k(%arg0: i32, %arg1: i32, %arg2: memref<32x52x128xi32, #tpu.memory_space<hbm>>, %arg3: memref<32x20x128xi32, #tpu.memory_space<hbm>>, %arg4: memref<32x20x128xi32, #tpu.memory_space<hbm>>, %arg5: memref<32x20x128xi32, #tpu.memory_space<hbm>>, %arg6: memref<32x4x128xi32, #tpu.memory_space<hbm>>, %arg7: memref<100000x16xf32, #tpu.memory_space<hbm>>, %arg8: memref<1000x16xf32, #tpu.memory_space<hbm>>, %arg9: memref<1000x16xf32, #tpu.memory_space<hbm>>, %arg10: memref<100x16xf32, #tpu.memory_space<hbm>>, %arg11: memref<100x16xf32, #tpu.memory_space<hbm>>, %arg12: memref<212992x16xf32, #tpu.memory_space<hbm>>, %arg13: memref<81920x16xf32, #tpu.memory_space<hbm>>, %arg14: memref<81920x16xf32, #tpu.memory_space<hbm>>, %arg15: memref<81920x16xf32, #tpu.memory_space<hbm>>, %arg16: memref<16384x16xf32, #tpu.memory_space<hbm>>, %arg17: memref<52x128xi32, #tpu.memory_space<vmem>>, %arg18: memref<6656x16xf32, #tpu.memory_space<vmem>>, %arg19: memref<!tpu.dma_semaphore, #tpu.memory_space<semaphore_mem>>) attributes {dimension_semantics = [#tpu.dimension_semantics<core_parallel>, #tpu.dimension_semantics<subcore_parallel>], iteration_bounds = array<i64: 2, 16>, scalar_prefetch = 0 : i64, scratch_operands = 3 : i64, tpu.core_type = #tpu.core_type<sc_vector_subcore>, window_params = [{transform_indices = #map}, {transform_indices = #map}, {transform_indices = #map}, {transform_indices = #map}, {transform_indices = #map}, {transform_indices = #map1}, {transform_indices = #map1}, {transform_indices = #map1}, {transform_indices = #map1}, {transform_indices = #map1}, {transform_indices = #map1}, {transform_indices = #map1}, {transform_indices = #map1}, {transform_indices = #map1}, {transform_indices = #map1}]} {
    %mul3A = arith.constant 2 : i32
    %mul3A_0 = arith.muli %arg1, %mul3A : i32
    %add3A = arith.addi %mul3A_0, %arg0 : i32
    "tpu.region"() ({
      %run_scoped3A = tpu.sem_alloc : memref<!tpu.dma_semaphore, #tpu.memory_space<semaphore_mem>>
      %dma_start3A_149 = arith.constant 0 : i32
      %dma_start3A_150 = arith.constant 0 : i32
      %dma_start3A_151 = tpu.memref_slice %arg17[%dma_start3A_149, %dma_start3A_150] : memref<52x128xi32, #tpu.memory_space<vmem>> -> memref<52x128xi32, #tpu.memory_space<vmem>>
      %dma_start3A_152 = arith.constant 0 : i32
      %dma_start3A_153 = arith.constant 0 : i32
      %dma_start3A_154 = tpu.memref_slice %arg2[%add3A, %dma_start3A_152, %dma_start3A_153] : memref<32x52x128xi32, #tpu.memory_space<hbm>> -> memref<1x52x128xi32, #tpu.memory_space<hbm>>
      %dma_start3A_155 = tpu.memref_squeeze %dma_start3A_154 : memref<1x52x128xi32, #tpu.memory_space<hbm>> -> memref<52x128xi32, #tpu.memory_space<hbm>>
      %dma_start3A_156 = arith.constant 0 : i32
      %dma_start3A_157 = arith.constant 0 : i32
      %dma_start3A_158 = tpu.memref_slice %arg17[%dma_start3A_156, %dma_start3A_157] : memref<52x128xi32, #tpu.memory_space<vmem>> -> memref<52x128xi32, #tpu.memory_space<vmem>>
      %dma_start3A_159 = arith.constant 0 : i32
      %dma_start3A_160 = arith.constant 0 : i32
      %dma_start3A_161 = tpu.memref_slice %arg2[%add3A, %dma_start3A_159, %dma_start3A_160] : memref<32x52x128xi32, #tpu.memory_space<hbm>> -> memref<1x52x128xi32, #tpu.memory_space<hbm>>
      %dma_start3A_162 = tpu.memref_squeeze %dma_start3A_161 : memref<1x52x128xi32, #tpu.memory_space<hbm>> -> memref<52x128xi32, #tpu.memory_space<hbm>>
      tpu.enqueue_dma source(%dma_start3A_162 : memref<52x128xi32, #tpu.memory_space<hbm>>) target(%dma_start3A_158 : memref<52x128xi32, #tpu.memory_space<vmem>>) target_semaphore(%run_scoped3A : memref<!tpu.dma_semaphore, #tpu.memory_space<semaphore_mem>>)
      %dma_wait3A_163 = arith.constant 0 : i32
      %dma_wait3A_164 = arith.constant 0 : i32
      %dma_wait3A_165 = tpu.memref_slice %arg17[%dma_wait3A_163, %dma_wait3A_164] : memref<52x128xi32, #tpu.memory_space<vmem>> -> memref<52x128xi32, #tpu.memory_space<vmem>>
      %dma_wait3A_166 = arith.constant 0 : i32
      %dma_wait3A_167 = arith.constant 0 : i32
      %dma_wait3A_168 = tpu.memref_slice %arg2[%add3A, %dma_wait3A_166, %dma_wait3A_167] : memref<32x52x128xi32, #tpu.memory_space<hbm>> -> memref<1x52x128xi32, #tpu.memory_space<hbm>>
      %dma_wait3A_169 = tpu.memref_squeeze %dma_wait3A_168 : memref<1x52x128xi32, #tpu.memory_space<hbm>> -> memref<52x128xi32, #tpu.memory_space<hbm>>
      %dma_wait3A_170 = arith.constant 0 : i32
      %dma_wait3A_171 = arith.constant 0 : i32
      %dma_wait3A_172 = tpu.memref_slice %arg17[%dma_wait3A_170, %dma_wait3A_171] : memref<52x128xi32, #tpu.memory_space<vmem>> -> memref<52x128xi32, #tpu.memory_space<vmem>>
      %dma_wait3A_173 = arith.constant 0 : i32
      %dma_wait3A_174 = arith.constant 0 : i32
      %dma_wait3A_175 = tpu.memref_slice %arg2[%add3A, %dma_wait3A_173, %dma_wait3A_174] : memref<32x52x128xi32, #tpu.memory_space<hbm>> -> memref<1x52x128xi32, #tpu.memory_space<hbm>>
      %dma_wait3A_176 = tpu.memref_squeeze %dma_wait3A_175 : memref<1x52x128xi32, #tpu.memory_space<hbm>> -> memref<52x128xi32, #tpu.memory_space<hbm>>
      tpu.wait_dma2 semaphore(%run_scoped3A : memref<!tpu.dma_semaphore, #tpu.memory_space<semaphore_mem>>) src(%dma_wait3A_176 : memref<52x128xi32, #tpu.memory_space<hbm>>) dst(%dma_wait3A_172 : memref<52x128xi32, #tpu.memory_space<vmem>>)
      tpu.yield
    }) : () -> ()
    %scan3A = arith.constant 0 : i32
    %scan3A_1 = arith.constant 0 : i32
    %scan3A_2 = arith.constant 13 : i32
    %scan3A_3 = arith.addi %scan3A_1, %scan3A_2 : i32
    %scan3A_4 = arith.constant 1 : i32
    scf.for %scan3A_149 = %scan3A_1 to %scan3A_3 step %scan3A_4  : i32 {
      %mul3A_150 = arith.constant 4 : i32
      %mul3A_151 = arith.muli %scan3A_149, %mul3A_150 : i32
      %add3A_152 = arith.constant 0 : i32
      %add3A_153 = arith.addi %mul3A_151, %add3A_152 : i32
      %mul3A_154 = arith.constant 4 : i32
      %mul3A_155 = arith.muli %scan3A_149, %mul3A_154 : i32
      %add3A_156 = arith.constant 0 : i32
      %add3A_157 = arith.addi %mul3A_155, %add3A_156 : i32
      %mul3A_158 = arith.constant 128 : i32
      %mul3A_159 = arith.muli %add3A_157, %mul3A_158 : i32
      %dma_start3A_160 = arith.constant 0 : i32
      %dma_start3A_161 = tpu.memref_slice %arg18[%mul3A_159, %dma_start3A_160] : memref<6656x16xf32, #tpu.memory_space<vmem>> -> memref<128x16xf32, #tpu.memory_space<vmem>>
      %dma_start3A_162 = arith.constant 0 : i32
      %dma_start3A_163 = tpu.memref_slice %arg17[%add3A_153, %dma_start3A_162] : memref<52x128xi32, #tpu.memory_space<vmem>> -> memref<1x128xi32, #tpu.memory_space<vmem>>
      %dma_start3A_164 = tpu.memref_squeeze %dma_start3A_163 : memref<1x128xi32, #tpu.memory_space<vmem>> -> memref<128xi32, #tpu.memory_space<vmem>>
      %dma_start3A_165 = arith.constant 0 : i32
      %dma_start3A_166 = arith.constant 0 : i32
      %dma_start3A_167 = tpu.memref_slice %arg7[%dma_start3A_165, %dma_start3A_166] : memref<100000x16xf32, #tpu.memory_space<hbm>> -> memref<100000x16xf32, #tpu.memory_space<hbm>>
      tpu.enqueue_indirect_dma source(%dma_start3A_167 : memref<100000x16xf32, #tpu.memory_space<hbm>>) target(%dma_start3A_161 : memref<128x16xf32, #tpu.memory_space<vmem>>) offsets(%dma_start3A_164 : memref<128xi32, #tpu.memory_space<vmem>>) semaphore(%arg19 : memref<!tpu.dma_semaphore, #tpu.memory_space<semaphore_mem>>)
      %mul3A_168 = arith.constant 4 : i32
      %mul3A_169 = arith.muli %scan3A_149, %mul3A_168 : i32
      %add3A_170 = arith.constant 1 : i32
      %add3A_171 = arith.addi %mul3A_169, %add3A_170 : i32
      %mul3A_172 = arith.constant 4 : i32
      %mul3A_173 = arith.muli %scan3A_149, %mul3A_172 : i32
      %add3A_174 = arith.constant 1 : i32
      %add3A_175 = arith.addi %mul3A_173, %add3A_174 : i32
      %mul3A_176 = arith.constant 128 : i32
      %mul3A_177 = arith.muli %add3A_175, %mul3A_176 : i32
      %dma_start3A_178 = arith.constant 0 : i32
      %dma_start3A_179 = tpu.memref_slice %arg18[%mul3A_177, %dma_start3A_178] : memref<6656x16xf32, #tpu.memory_space<vmem>> -> memref<128x16xf32, #tpu.memory_space<vmem>>
      %dma_start3A_180 = arith.constant 0 : i32
      %dma_start3A_181 = tpu.memref_slice %arg17[%add3A_171, %dma_start3A_180] : memref<52x128xi32, #tpu.memory_space<vmem>> -> memref<1x128xi32, #tpu.memory_space<vmem>>
      %dma_start3A_182 = tpu.memref_squeeze %dma_start3A_181 : memref<1x128xi32, #tpu.memory_space<vmem>> -> memref<128xi32, #tpu.memory_space<vmem>>
      %dma_start3A_183 = arith.constant 0 : i32
      %dma_start3A_184 = arith.constant 0 : i32
      %dma_start3A_185 = tpu.memref_slice %arg7[%dma_start3A_183, %dma_start3A_184] : memref<100000x16xf32, #tpu.memory_space<hbm>> -> memref<100000x16xf32, #tpu.memory_space<hbm>>
      tpu.enqueue_indirect_dma source(%dma_start3A_185 : memref<100000x16xf32, #tpu.memory_space<hbm>>) target(%dma_start3A_179 : memref<128x16xf32, #tpu.memory_space<vmem>>) offsets(%dma_start3A_182 : memref<128xi32, #tpu.memory_space<vmem>>) semaphore(%arg19 : memref<!tpu.dma_semaphore, #tpu.memory_space<semaphore_mem>>)
      %mul3A_186 = arith.constant 4 : i32
      %mul3A_187 = arith.muli %scan3A_149, %mul3A_186 : i32
      %add3A_188 = arith.constant 2 : i32
      %add3A_189 = arith.addi %mul3A_187, %add3A_188 : i32
      %mul3A_190 = arith.constant 4 : i32
      %mul3A_191 = arith.muli %scan3A_149, %mul3A_190 : i32
      %add3A_192 = arith.constant 2 : i32
      %add3A_193 = arith.addi %mul3A_191, %add3A_192 : i32
      %mul3A_194 = arith.constant 128 : i32
      %mul3A_195 = arith.muli %add3A_193, %mul3A_194 : i32
      %dma_start3A_196 = arith.constant 0 : i32
      %dma_start3A_197 = tpu.memref_slice %arg18[%mul3A_195, %dma_start3A_196] : memref<6656x16xf32, #tpu.memory_space<vmem>> -> memref<128x16xf32, #tpu.memory_space<vmem>>
      %dma_start3A_198 = arith.constant 0 : i32
      %dma_start3A_199 = tpu.memref_slice %arg17[%add3A_189, %dma_start3A_198] : memref<52x128xi32, #tpu.memory_space<vmem>> -> memref<1x128xi32, #tpu.memory_space<vmem>>
      %dma_start3A_200 = tpu.memref_squeeze %dma_start3A_199 : memref<1x128xi32, #tpu.memory_space<vmem>> -> memref<128xi32, #tpu.memory_space<vmem>>
      %dma_start3A_201 = arith.constant 0 : i32
      %dma_start3A_202 = arith.constant 0 : i32
      %dma_start3A_203 = tpu.memref_slice %arg7[%dma_start3A_201, %dma_start3A_202] : memref<100000x16xf32, #tpu.memory_space<hbm>> -> memref<100000x16xf32, #tpu.memory_space<hbm>>
      tpu.enqueue_indirect_dma source(%dma_start3A_203 : memref<100000x16xf32, #tpu.memory_space<hbm>>) target(%dma_start3A_197 : memref<128x16xf32, #tpu.memory_space<vmem>>) offsets(%dma_start3A_200 : memref<128xi32, #tpu.memory_space<vmem>>) semaphore(%arg19 : memref<!tpu.dma_semaphore, #tpu.memory_space<semaphore_mem>>)
      %mul3A_204 = arith.constant 4 : i32
      %mul3A_205 = arith.muli %scan3A_149, %mul3A_204 : i32
      %add3A_206 = arith.constant 3 : i32
      %add3A_207 = arith.addi %mul3A_205, %add3A_206 : i32
      %mul3A_208 = arith.constant 4 : i32
      %mul3A_209 = arith.muli %scan3A_149, %mul3A_208 : i32
      %add3A_210 = arith.constant 3 : i32
      %add3A_211 = arith.addi %mul3A_209, %add3A_210 : i32
      %mul3A_212 = arith.constant 128 : i32
      %mul3A_213 = arith.muli %add3A_211, %mul3A_212 : i32
      %dma_start3A_214 = arith.constant 0 : i32
      %dma_start3A_215 = tpu.memref_slice %arg18[%mul3A_213, %dma_start3A_214] : memref<6656x16xf32, #tpu.memory_space<vmem>> -> memref<128x16xf32, #tpu.memory_space<vmem>>
      %dma_start3A_216 = arith.constant 0 : i32
      %dma_start3A_217 = tpu.memref_slice %arg17[%add3A_207, %dma_start3A_216] : memref<52x128xi32, #tpu.memory_space<vmem>> -> memref<1x128xi32, #tpu.memory_space<vmem>>
      %dma_start3A_218 = tpu.memref_squeeze %dma_start3A_217 : memref<1x128xi32, #tpu.memory_space<vmem>> -> memref<128xi32, #tpu.memory_space<vmem>>
      %dma_start3A_219 = arith.constant 0 : i32
      %dma_start3A_220 = arith.constant 0 : i32
      %dma_start3A_221 = tpu.memref_slice %arg7[%dma_start3A_219, %dma_start3A_220] : memref<100000x16xf32, #tpu.memory_space<hbm>> -> memref<100000x16xf32, #tpu.memory_space<hbm>>
      tpu.enqueue_indirect_dma source(%dma_start3A_221 : memref<100000x16xf32, #tpu.memory_space<hbm>>) target(%dma_start3A_215 : memref<128x16xf32, #tpu.memory_space<vmem>>) offsets(%dma_start3A_218 : memref<128xi32, #tpu.memory_space<vmem>>) semaphore(%arg19 : memref<!tpu.dma_semaphore, #tpu.memory_space<semaphore_mem>>)
      %dma_wait3A_222 = arith.constant 0 : i32
      %dma_wait3A_223 = tpu.memref_slice %arg18[%mul3A_159, %dma_wait3A_222] : memref<6656x16xf32, #tpu.memory_space<vmem>> -> memref<128x16xf32, #tpu.memory_space<vmem>>
      %dma_wait3A_224 = arith.constant 0 : i32
      %dma_wait3A_225 = tpu.memref_slice %arg17[%add3A_153, %dma_wait3A_224] : memref<52x128xi32, #tpu.memory_space<vmem>> -> memref<1x128xi32, #tpu.memory_space<vmem>>
      %dma_wait3A_226 = tpu.memref_squeeze %dma_wait3A_225 : memref<1x128xi32, #tpu.memory_space<vmem>> -> memref<128xi32, #tpu.memory_space<vmem>>
      %dma_wait3A_227 = arith.constant 0 : i32
      %dma_wait3A_228 = arith.constant 0 : i32
      %dma_wait3A_229 = tpu.memref_slice %arg7[%dma_wait3A_227, %dma_wait3A_228] : memref<100000x16xf32, #tpu.memory_space<hbm>> -> memref<100000x16xf32, #tpu.memory_space<hbm>>
      tpu.wait_indirect_dma semaphore(%arg19 : memref<!tpu.dma_semaphore, #tpu.memory_space<semaphore_mem>>) src(%dma_wait3A_229 : memref<100000x16xf32, #tpu.memory_space<hbm>>) dst(%dma_wait3A_223 : memref<128x16xf32, #tpu.memory_space<vmem>>)
      %dma_wait3A_230 = arith.constant 0 : i32
      %dma_wait3A_231 = tpu.memref_slice %arg18[%mul3A_177, %dma_wait3A_230] : memref<6656x16xf32, #tpu.memory_space<vmem>> -> memref<128x16xf32, #tpu.memory_space<vmem>>
      %dma_wait3A_232 = arith.constant 0 : i32
      %dma_wait3A_233 = tpu.memref_slice %arg17[%add3A_171, %dma_wait3A_232] : memref<52x128xi32, #tpu.memory_space<vmem>> -> memref<1x128xi32, #tpu.memory_space<vmem>>
      %dma_wait3A_234 = tpu.memref_squeeze %dma_wait3A_233 : memref<1x128xi32, #tpu.memory_space<vmem>> -> memref<128xi32, #tpu.memory_space<vmem>>
      %dma_wait3A_235 = arith.constant 0 : i32
      %dma_wait3A_236 = arith.constant 0 : i32
      %dma_wait3A_237 = tpu.memref_slice %arg7[%dma_wait3A_235, %dma_wait3A_236] : memref<100000x16xf32, #tpu.memory_space<hbm>> -> memref<100000x16xf32, #tpu.memory_space<hbm>>
      tpu.wait_indirect_dma semaphore(%arg19 : memref<!tpu.dma_semaphore, #tpu.memory_space<semaphore_mem>>) src(%dma_wait3A_237 : memref<100000x16xf32, #tpu.memory_space<hbm>>) dst(%dma_wait3A_231 : memref<128x16xf32, #tpu.memory_space<vmem>>)
      %dma_wait3A_238 = arith.constant 0 : i32
      %dma_wait3A_239 = tpu.memref_slice %arg18[%mul3A_195, %dma_wait3A_238] : memref<6656x16xf32, #tpu.memory_space<vmem>> -> memref<128x16xf32, #tpu.memory_space<vmem>>
      %dma_wait3A_240 = arith.constant 0 : i32
      %dma_wait3A_241 = tpu.memref_slice %arg17[%add3A_189, %dma_wait3A_240] : memref<52x128xi32, #tpu.memory_space<vmem>> -> memref<1x128xi32, #tpu.memory_space<vmem>>
      %dma_wait3A_242 = tpu.memref_squeeze %dma_wait3A_241 : memref<1x128xi32, #tpu.memory_space<vmem>> -> memref<128xi32, #tpu.memory_space<vmem>>
      %dma_wait3A_243 = arith.constant 0 : i32
      %dma_wait3A_244 = arith.constant 0 : i32
      %dma_wait3A_245 = tpu.memref_slice %arg7[%dma_wait3A_243, %dma_wait3A_244] : memref<100000x16xf32, #tpu.memory_space<hbm>> -> memref<100000x16xf32, #tpu.memory_space<hbm>>
      tpu.wait_indirect_dma semaphore(%arg19 : memref<!tpu.dma_semaphore, #tpu.memory_space<semaphore_mem>>) src(%dma_wait3A_245 : memref<100000x16xf32, #tpu.memory_space<hbm>>) dst(%dma_wait3A_239 : memref<128x16xf32, #tpu.memory_space<vmem>>)
      %dma_wait3A_246 = arith.constant 0 : i32
      %dma_wait3A_247 = tpu.memref_slice %arg18[%mul3A_213, %dma_wait3A_246] : memref<6656x16xf32, #tpu.memory_space<vmem>> -> memref<128x16xf32, #tpu.memory_space<vmem>>
      %dma_wait3A_248 = arith.constant 0 : i32
      %dma_wait3A_249 = tpu.memref_slice %arg17[%add3A_207, %dma_wait3A_248] : memref<52x128xi32, #tpu.memory_space<vmem>> -> memref<1x128xi32, #tpu.memory_space<vmem>>
      %dma_wait3A_250 = tpu.memref_squeeze %dma_wait3A_249 : memref<1x128xi32, #tpu.memory_space<vmem>> -> memref<128xi32, #tpu.memory_space<vmem>>
      %dma_wait3A_251 = arith.constant 0 : i32
      %dma_wait3A_252 = arith.constant 0 : i32
      %dma_wait3A_253 = tpu.memref_slice %arg7[%dma_wait3A_251, %dma_wait3A_252] : memref<100000x16xf32, #tpu.memory_space<hbm>> -> memref<100000x16xf32, #tpu.memory_space<hbm>>
      tpu.wait_indirect_dma semaphore(%arg19 : memref<!tpu.dma_semaphore, #tpu.memory_space<semaphore_mem>>) src(%dma_wait3A_253 : memref<100000x16xf32, #tpu.memory_space<hbm>>) dst(%dma_wait3A_247 : memref<128x16xf32, #tpu.memory_space<vmem>>)
    }
    %scan3A_5 = arith.constant 13 : i32
    %mul3A_6 = arith.constant 13 : i32
    %mul3A_7 = arith.muli %add3A, %mul3A_6 : i32
    %mul3A_8 = arith.constant 512 : i32
    %mul3A_9 = arith.muli %mul3A_7, %mul3A_8 : i32
    "tpu.region"() ({
      %run_scoped3A = tpu.sem_alloc : memref<!tpu.dma_semaphore, #tpu.memory_space<semaphore_mem>>
      %dma_start3A_149 = arith.constant 0 : i32
      %dma_start3A_150 = arith.constant 0 : i32
      %dma_start3A_151 = tpu.memref_slice %arg18[%dma_start3A_149, %dma_start3A_150] : memref<6656x16xf32, #tpu.memory_space<vmem>> -> memref<6656x16xf32, #tpu.memory_space<vmem>>
      %dma_start3A_152 = arith.constant 0 : i32
      %dma_start3A_153 = tpu.memref_slice %arg12[%mul3A_9, %dma_start3A_152] : memref<212992x16xf32, #tpu.memory_space<hbm>> -> memref<6656x16xf32, #tpu.memory_space<hbm>>
      %dma_start3A_154 = arith.constant 0 : i32
      %dma_start3A_155 = tpu.memref_slice %arg12[%mul3A_9, %dma_start3A_154] : memref<212992x16xf32, #tpu.memory_space<hbm>> -> memref<6656x16xf32, #tpu.memory_space<hbm>>
      %dma_start3A_156 = arith.constant 0 : i32
      %dma_start3A_157 = arith.constant 0 : i32
      %dma_start3A_158 = tpu.memref_slice %arg18[%dma_start3A_156, %dma_start3A_157] : memref<6656x16xf32, #tpu.memory_space<vmem>> -> memref<6656x16xf32, #tpu.memory_space<vmem>>
      tpu.enqueue_dma source(%dma_start3A_158 : memref<6656x16xf32, #tpu.memory_space<vmem>>) target(%dma_start3A_155 : memref<6656x16xf32, #tpu.memory_space<hbm>>) target_semaphore(%run_scoped3A : memref<!tpu.dma_semaphore, #tpu.memory_space<semaphore_mem>>)
      %dma_wait3A_159 = arith.constant 0 : i32
      %dma_wait3A_160 = arith.constant 0 : i32
      %dma_wait3A_161 = tpu.memref_slice %arg18[%dma_wait3A_159, %dma_wait3A_160] : memref<6656x16xf32, #tpu.memory_space<vmem>> -> memref<6656x16xf32, #tpu.memory_space<vmem>>
      %dma_wait3A_162 = arith.constant 0 : i32
      %dma_wait3A_163 = tpu.memref_slice %arg12[%mul3A_9, %dma_wait3A_162] : memref<212992x16xf32, #tpu.memory_space<hbm>> -> memref<6656x16xf32, #tpu.memory_space<hbm>>
      %dma_wait3A_164 = arith.constant 0 : i32
      %dma_wait3A_165 = tpu.memref_slice %arg12[%mul3A_9, %dma_wait3A_164] : memref<212992x16xf32, #tpu.memory_space<hbm>> -> memref<6656x16xf32, #tpu.memory_space<hbm>>
      %dma_wait3A_166 = arith.constant 0 : i32
      %dma_wait3A_167 = arith.constant 0 : i32
      %dma_wait3A_168 = tpu.memref_slice %arg18[%dma_wait3A_166, %dma_wait3A_167] : memref<6656x16xf32, #tpu.memory_space<vmem>> -> memref<6656x16xf32, #tpu.memory_space<vmem>>
      tpu.wait_dma2 semaphore(%run_scoped3A : memref<!tpu.dma_semaphore, #tpu.memory_space<semaphore_mem>>) src(%dma_wait3A_168 : memref<6656x16xf32, #tpu.memory_space<vmem>>) dst(%dma_wait3A_165 : memref<6656x16xf32, #tpu.memory_space<hbm>>)
      tpu.yield
    }) : () -> ()
    "tpu.region"() ({
      %run_scoped3A = tpu.sem_alloc : memref<!tpu.dma_semaphore, #tpu.memory_space<semaphore_mem>>
      %dma_start3A_149 = arith.constant 0 : i32
      %dma_start3A_150 = arith.constant 0 : i32
      %dma_start3A_151 = tpu.memref_slice %arg17[%dma_start3A_149, %dma_start3A_150] : memref<52x128xi32, #tpu.memory_space<vmem>> -> memref<20x128xi32, #tpu.memory_space<vmem>>
      %dma_start3A_152 = arith.constant 0 : i32
      %dma_start3A_153 = arith.constant 0 : i32
      %dma_start3A_154 = tpu.memref_slice %arg3[%add3A, %dma_start3A_152, %dma_start3A_153] : memref<32x20x128xi32, #tpu.memory_space<hbm>> -> memref<1x20x128xi32, #tpu.memory_space<hbm>>
      %dma_start3A_155 = tpu.memref_squeeze %dma_start3A_154 : memref<1x20x128xi32, #tpu.memory_space<hbm>> -> memref<20x128xi32, #tpu.memory_space<hbm>>
      %dma_start3A_156 = arith.constant 0 : i32
      %dma_start3A_157 = arith.constant 0 : i32
      %dma_start3A_158 = tpu.memref_slice %arg17[%dma_start3A_156, %dma_start3A_157] : memref<52x128xi32, #tpu.memory_space<vmem>> -> memref<20x128xi32, #tpu.memory_space<vmem>>
      %dma_start3A_159 = arith.constant 0 : i32
      %dma_start3A_160 = arith.constant 0 : i32
      %dma_start3A_161 = tpu.memref_slice %arg3[%add3A, %dma_start3A_159, %dma_start3A_160] : memref<32x20x128xi32, #tpu.memory_space<hbm>> -> memref<1x20x128xi32, #tpu.memory_space<hbm>>
      %dma_start3A_162 = tpu.memref_squeeze %dma_start3A_161 : memref<1x20x128xi32, #tpu.memory_space<hbm>> -> memref<20x128xi32, #tpu.memory_space<hbm>>
      tpu.enqueue_dma source(%dma_start3A_162 : memref<20x128xi32, #tpu.memory_space<hbm>>) target(%dma_start3A_158 : memref<20x128xi32, #tpu.memory_space<vmem>>) target_semaphore(%run_scoped3A : memref<!tpu.dma_semaphore, #tpu.memory_space<semaphore_mem>>)
      %dma_wait3A_163 = arith.constant 0 : i32
      %dma_wait3A_164 = arith.constant 0 : i32
      %dma_wait3A_165 = tpu.memref_slice %arg17[%dma_wait3A_163, %dma_wait3A_164] : memref<52x128xi32, #tpu.memory_space<vmem>> -> memref<20x128xi32, #tpu.memory_space<vmem>>
      %dma_wait3A_166 = arith.constant 0 : i32
      %dma_wait3A_167 = arith.constant 0 : i32
      %dma_wait3A_168 = tpu.memref_slice %arg3[%add3A, %dma_wait3A_166, %dma_wait3A_167] : memref<32x20x128xi32, #tpu.memory_space<hbm>> -> memref<1x20x128xi32, #tpu.memory_space<hbm>>
      %dma_wait3A_169 = tpu.memref_squeeze %dma_wait3A_168 : memref<1x20x128xi32, #tpu.memory_space<hbm>> -> memref<20x128xi32, #tpu.memory_space<hbm>>
      %dma_wait3A_170 = arith.constant 0 : i32
      %dma_wait3A_171 = arith.constant 0 : i32
      %dma_wait3A_172 = tpu.memref_slice %arg17[%dma_wait3A_170, %dma_wait3A_171] : memref<52x128xi32, #tpu.memory_space<vmem>> -> memref<20x128xi32, #tpu.memory_space<vmem>>
      %dma_wait3A_173 = arith.constant 0 : i32
      %dma_wait3A_174 = arith.constant 0 : i32
      %dma_wait3A_175 = tpu.memref_slice %arg3[%add3A, %dma_wait3A_173, %dma_wait3A_174] : memref<32x20x128xi32, #tpu.memory_space<hbm>> -> memref<1x20x128xi32, #tpu.memory_space<hbm>>
      %dma_wait3A_176 = tpu.memref_squeeze %dma_wait3A_175 : memref<1x20x128xi32, #tpu.memory_space<hbm>> -> memref<20x128xi32, #tpu.memory_space<hbm>>
      tpu.wait_dma2 semaphore(%run_scoped3A : memref<!tpu.dma_semaphore, #tpu.memory_space<semaphore_mem>>) src(%dma_wait3A_176 : memref<20x128xi32, #tpu.memory_space<hbm>>) dst(%dma_wait3A_172 : memref<20x128xi32, #tpu.memory_space<vmem>>)
      tpu.yield
    }) : () -> ()
    %scan3A_10 = arith.constant 0 : i32
    %scan3A_11 = arith.constant 0 : i32
    %scan3A_12 = arith.constant 5 : i32
    %scan3A_13 = arith.addi %scan3A_11, %scan3A_12 : i32
    %scan3A_14 = arith.constant 1 : i32
    scf.for %scan3A_149 = %scan3A_11 to %scan3A_13 step %scan3A_14  : i32 {
      %mul3A_150 = arith.constant 4 : i32
      %mul3A_151 = arith.muli %scan3A_149, %mul3A_150 : i32
      %add3A_152 = arith.constant 0 : i32
      %add3A_153 = arith.addi %mul3A_151, %add3A_152 : i32
      %mul3A_154 = arith.constant 4 : i32
      %mul3A_155 = arith.muli %scan3A_149, %mul3A_154 : i32
      %add3A_156 = arith.constant 0 : i32
      %add3A_157 = arith.addi %mul3A_155, %add3A_156 : i32
      %mul3A_158 = arith.constant 128 : i32
      %mul3A_159 = arith.muli %add3A_157, %mul3A_158 : i32
      %dma_start3A_160 = arith.constant 0 : i32
      %dma_start3A_161 = tpu.memref_slice %arg18[%mul3A_159, %dma_start3A_160] : memref<6656x16xf32, #tpu.memory_space<vmem>> -> memref<128x16xf32, #tpu.memory_space<vmem>>
      %dma_start3A_162 = arith.constant 0 : i32
      %dma_start3A_163 = tpu.memref_slice %arg17[%add3A_153, %dma_start3A_162] : memref<52x128xi32, #tpu.memory_space<vmem>> -> memref<1x128xi32, #tpu.memory_space<vmem>>
      %dma_start3A_164 = tpu.memref_squeeze %dma_start3A_163 : memref<1x128xi32, #tpu.memory_space<vmem>> -> memref<128xi32, #tpu.memory_space<vmem>>
      %dma_start3A_165 = arith.constant 0 : i32
      %dma_start3A_166 = arith.constant 0 : i32
      %dma_start3A_167 = tpu.memref_slice %arg8[%dma_start3A_165, %dma_start3A_166] : memref<1000x16xf32, #tpu.memory_space<hbm>> -> memref<1000x16xf32, #tpu.memory_space<hbm>>
      tpu.enqueue_indirect_dma source(%dma_start3A_167 : memref<1000x16xf32, #tpu.memory_space<hbm>>) target(%dma_start3A_161 : memref<128x16xf32, #tpu.memory_space<vmem>>) offsets(%dma_start3A_164 : memref<128xi32, #tpu.memory_space<vmem>>) semaphore(%arg19 : memref<!tpu.dma_semaphore, #tpu.memory_space<semaphore_mem>>)
      %mul3A_168 = arith.constant 4 : i32
      %mul3A_169 = arith.muli %scan3A_149, %mul3A_168 : i32
      %add3A_170 = arith.constant 1 : i32
      %add3A_171 = arith.addi %mul3A_169, %add3A_170 : i32
      %mul3A_172 = arith.constant 4 : i32
      %mul3A_173 = arith.muli %scan3A_149, %mul3A_172 : i32
      %add3A_174 = arith.constant 1 : i32
      %add3A_175 = arith.addi %mul3A_173, %add3A_174 : i32
      %mul3A_176 = arith.constant 128 : i32
      %mul3A_177 = arith.muli %add3A_175, %mul3A_176 : i32
      %dma_start3A_178 = arith.constant 0 : i32
      %dma_start3A_179 = tpu.memref_slice %arg18[%mul3A_177, %dma_start3A_178] : memref<6656x16xf32, #tpu.memory_space<vmem>> -> memref<128x16xf32, #tpu.memory_space<vmem>>
      %dma_start3A_180 = arith.constant 0 : i32
      %dma_start3A_181 = tpu.memref_slice %arg17[%add3A_171, %dma_start3A_180] : memref<52x128xi32, #tpu.memory_space<vmem>> -> memref<1x128xi32, #tpu.memory_space<vmem>>
      %dma_start3A_182 = tpu.memref_squeeze %dma_start3A_181 : memref<1x128xi32, #tpu.memory_space<vmem>> -> memref<128xi32, #tpu.memory_space<vmem>>
      %dma_start3A_183 = arith.constant 0 : i32
      %dma_start3A_184 = arith.constant 0 : i32
      %dma_start3A_185 = tpu.memref_slice %arg8[%dma_start3A_183, %dma_start3A_184] : memref<1000x16xf32, #tpu.memory_space<hbm>> -> memref<1000x16xf32, #tpu.memory_space<hbm>>
      tpu.enqueue_indirect_dma source(%dma_start3A_185 : memref<1000x16xf32, #tpu.memory_space<hbm>>) target(%dma_start3A_179 : memref<128x16xf32, #tpu.memory_space<vmem>>) offsets(%dma_start3A_182 : memref<128xi32, #tpu.memory_space<vmem>>) semaphore(%arg19 : memref<!tpu.dma_semaphore, #tpu.memory_space<semaphore_mem>>)
      %mul3A_186 = arith.constant 4 : i32
      %mul3A_187 = arith.muli %scan3A_149, %mul3A_186 : i32
      %add3A_188 = arith.constant 2 : i32
      %add3A_189 = arith.addi %mul3A_187, %add3A_188 : i32
      %mul3A_190 = arith.constant 4 : i32
      %mul3A_191 = arith.muli %scan3A_149, %mul3A_190 : i32
      %add3A_192 = arith.constant 2 : i32
      %add3A_193 = arith.addi %mul3A_191, %add3A_192 : i32
      %mul3A_194 = arith.constant 128 : i32
      %mul3A_195 = arith.muli %add3A_193, %mul3A_194 : i32
      %dma_start3A_196 = arith.constant 0 : i32
      %dma_start3A_197 = tpu.memref_slice %arg18[%mul3A_195, %dma_start3A_196] : memref<6656x16xf32, #tpu.memory_space<vmem>> -> memref<128x16xf32, #tpu.memory_space<vmem>>
      %dma_start3A_198 = arith.constant 0 : i32
      %dma_start3A_199 = tpu.memref_slice %arg17[%add3A_189, %dma_start3A_198] : memref<52x128xi32, #tpu.memory_space<vmem>> -> memref<1x128xi32, #tpu.memory_space<vmem>>
      %dma_start3A_200 = tpu.memref_squeeze %dma_start3A_199 : memref<1x128xi32, #tpu.memory_space<vmem>> -> memref<128xi32, #tpu.memory_space<vmem>>
      %dma_start3A_201 = arith.constant 0 : i32
      %dma_start3A_202 = arith.constant 0 : i32
      %dma_start3A_203 = tpu.memref_slice %arg8[%dma_start3A_201, %dma_start3A_202] : memref<1000x16xf32, #tpu.memory_space<hbm>> -> memref<1000x16xf32, #tpu.memory_space<hbm>>
      tpu.enqueue_indirect_dma source(%dma_start3A_203 : memref<1000x16xf32, #tpu.memory_space<hbm>>) target(%dma_start3A_197 : memref<128x16xf32, #tpu.memory_space<vmem>>) offsets(%dma_start3A_200 : memref<128xi32, #tpu.memory_space<vmem>>) semaphore(%arg19 : memref<!tpu.dma_semaphore, #tpu.memory_space<semaphore_mem>>)
      %mul3A_204 = arith.constant 4 : i32
      %mul3A_205 = arith.muli %scan3A_149, %mul3A_204 : i32
      %add3A_206 = arith.constant 3 : i32
      %add3A_207 = arith.addi %mul3A_205, %add3A_206 : i32
      %mul3A_208 = arith.constant 4 : i32
      %mul3A_209 = arith.muli %scan3A_149, %mul3A_208 : i32
      %add3A_210 = arith.constant 3 : i32
      %add3A_211 = arith.addi %mul3A_209, %add3A_210 : i32
      %mul3A_212 = arith.constant 128 : i32
      %mul3A_213 = arith.muli %add3A_211, %mul3A_212 : i32
      %dma_start3A_214 = arith.constant 0 : i32
      %dma_start3A_215 = tpu.memref_slice %arg18[%mul3A_213, %dma_start3A_214] : memref<6656x16xf32, #tpu.memory_space<vmem>> -> memref<128x16xf32, #tpu.memory_space<vmem>>
      %dma_start3A_216 = arith.constant 0 : i32
      %dma_start3A_217 = tpu.memref_slice %arg17[%add3A_207, %dma_start3A_216] : memref<52x128xi32, #tpu.memory_space<vmem>> -> memref<1x128xi32, #tpu.memory_space<vmem>>
      %dma_start3A_218 = tpu.memref_squeeze %dma_start3A_217 : memref<1x128xi32, #tpu.memory_space<vmem>> -> memref<128xi32, #tpu.memory_space<vmem>>
      %dma_start3A_219 = arith.constant 0 : i32
      %dma_start3A_220 = arith.constant 0 : i32
      %dma_start3A_221 = tpu.memref_slice %arg8[%dma_start3A_219, %dma_start3A_220] : memref<1000x16xf32, #tpu.memory_space<hbm>> -> memref<1000x16xf32, #tpu.memory_space<hbm>>
      tpu.enqueue_indirect_dma source(%dma_start3A_221 : memref<1000x16xf32, #tpu.memory_space<hbm>>) target(%dma_start3A_215 : memref<128x16xf32, #tpu.memory_space<vmem>>) offsets(%dma_start3A_218 : memref<128xi32, #tpu.memory_space<vmem>>) semaphore(%arg19 : memref<!tpu.dma_semaphore, #tpu.memory_space<semaphore_mem>>)
      %dma_wait3A_222 = arith.constant 0 : i32
      %dma_wait3A_223 = tpu.memref_slice %arg18[%mul3A_159, %dma_wait3A_222] : memref<6656x16xf32, #tpu.memory_space<vmem>> -> memref<128x16xf32, #tpu.memory_space<vmem>>
      %dma_wait3A_224 = arith.constant 0 : i32
      %dma_wait3A_225 = tpu.memref_slice %arg17[%add3A_153, %dma_wait3A_224] : memref<52x128xi32, #tpu.memory_space<vmem>> -> memref<1x128xi32, #tpu.memory_space<vmem>>
      %dma_wait3A_226 = tpu.memref_squeeze %dma_wait3A_225 : memref<1x128xi32, #tpu.memory_space<vmem>> -> memref<128xi32, #tpu.memory_space<vmem>>
      %dma_wait3A_227 = arith.constant 0 : i32
      %dma_wait3A_228 = arith.constant 0 : i32
      %dma_wait3A_229 = tpu.memref_slice %arg8[%dma_wait3A_227, %dma_wait3A_228] : memref<1000x16xf32, #tpu.memory_space<hbm>> -> memref<1000x16xf32, #tpu.memory_space<hbm>>
      tpu.wait_indirect_dma semaphore(%arg19 : memref<!tpu.dma_semaphore, #tpu.memory_space<semaphore_mem>>) src(%dma_wait3A_229 : memref<1000x16xf32, #tpu.memory_space<hbm>>) dst(%dma_wait3A_223 : memref<128x16xf32, #tpu.memory_space<vmem>>)
      %dma_wait3A_230 = arith.constant 0 : i32
      %dma_wait3A_231 = tpu.memref_slice %arg18[%mul3A_177, %dma_wait3A_230] : memref<6656x16xf32, #tpu.memory_space<vmem>> -> memref<128x16xf32, #tpu.memory_space<vmem>>
      %dma_wait3A_232 = arith.constant 0 : i32
      %dma_wait3A_233 = tpu.memref_slice %arg17[%add3A_171, %dma_wait3A_232] : memref<52x128xi32, #tpu.memory_space<vmem>> -> memref<1x128xi32, #tpu.memory_space<vmem>>
      %dma_wait3A_234 = tpu.memref_squeeze %dma_wait3A_233 : memref<1x128xi32, #tpu.memory_space<vmem>> -> memref<128xi32, #tpu.memory_space<vmem>>
      %dma_wait3A_235 = arith.constant 0 : i32
      %dma_wait3A_236 = arith.constant 0 : i32
      %dma_wait3A_237 = tpu.memref_slice %arg8[%dma_wait3A_235, %dma_wait3A_236] : memref<1000x16xf32, #tpu.memory_space<hbm>> -> memref<1000x16xf32, #tpu.memory_space<hbm>>
      tpu.wait_indirect_dma semaphore(%arg19 : memref<!tpu.dma_semaphore, #tpu.memory_space<semaphore_mem>>) src(%dma_wait3A_237 : memref<1000x16xf32, #tpu.memory_space<hbm>>) dst(%dma_wait3A_231 : memref<128x16xf32, #tpu.memory_space<vmem>>)
      %dma_wait3A_238 = arith.constant 0 : i32
      %dma_wait3A_239 = tpu.memref_slice %arg18[%mul3A_195, %dma_wait3A_238] : memref<6656x16xf32, #tpu.memory_space<vmem>> -> memref<128x16xf32, #tpu.memory_space<vmem>>
      %dma_wait3A_240 = arith.constant 0 : i32
      %dma_wait3A_241 = tpu.memref_slice %arg17[%add3A_189, %dma_wait3A_240] : memref<52x128xi32, #tpu.memory_space<vmem>> -> memref<1x128xi32, #tpu.memory_space<vmem>>
      %dma_wait3A_242 = tpu.memref_squeeze %dma_wait3A_241 : memref<1x128xi32, #tpu.memory_space<vmem>> -> memref<128xi32, #tpu.memory_space<vmem>>
      %dma_wait3A_243 = arith.constant 0 : i32
      %dma_wait3A_244 = arith.constant 0 : i32
      %dma_wait3A_245 = tpu.memref_slice %arg8[%dma_wait3A_243, %dma_wait3A_244] : memref<1000x16xf32, #tpu.memory_space<hbm>> -> memref<1000x16xf32, #tpu.memory_space<hbm>>
      tpu.wait_indirect_dma semaphore(%arg19 : memref<!tpu.dma_semaphore, #tpu.memory_space<semaphore_mem>>) src(%dma_wait3A_245 : memref<1000x16xf32, #tpu.memory_space<hbm>>) dst(%dma_wait3A_239 : memref<128x16xf32, #tpu.memory_space<vmem>>)
      %dma_wait3A_246 = arith.constant 0 : i32
      %dma_wait3A_247 = tpu.memref_slice %arg18[%mul3A_213, %dma_wait3A_246] : memref<6656x16xf32, #tpu.memory_space<vmem>> -> memref<128x16xf32, #tpu.memory_space<vmem>>
      %dma_wait3A_248 = arith.constant 0 : i32
      %dma_wait3A_249 = tpu.memref_slice %arg17[%add3A_207, %dma_wait3A_248] : memref<52x128xi32, #tpu.memory_space<vmem>> -> memref<1x128xi32, #tpu.memory_space<vmem>>
      %dma_wait3A_250 = tpu.memref_squeeze %dma_wait3A_249 : memref<1x128xi32, #tpu.memory_space<vmem>> -> memref<128xi32, #tpu.memory_space<vmem>>
      %dma_wait3A_251 = arith.constant 0 : i32
      %dma_wait3A_252 = arith.constant 0 : i32
      %dma_wait3A_253 = tpu.memref_slice %arg8[%dma_wait3A_251, %dma_wait3A_252] : memref<1000x16xf32, #tpu.memory_space<hbm>> -> memref<1000x16xf32, #tpu.memory_space<hbm>>
      tpu.wait_indirect_dma semaphore(%arg19 : memref<!tpu.dma_semaphore, #tpu.memory_space<semaphore_mem>>) src(%dma_wait3A_253 : memref<1000x16xf32, #tpu.memory_space<hbm>>) dst(%dma_wait3A_247 : memref<128x16xf32, #tpu.memory_space<vmem>>)
    }
    %scan3A_15 = arith.constant 5 : i32
    %mul3A_16 = arith.constant 5 : i32
    %mul3A_17 = arith.muli %add3A, %mul3A_16 : i32
    %mul3A_18 = arith.constant 512 : i32
    %mul3A_19 = arith.muli %mul3A_17, %mul3A_18 : i32
    "tpu.region"() ({
      %run_scoped3A = tpu.sem_alloc : memref<!tpu.dma_semaphore, #tpu.memory_space<semaphore_mem>>
      %dma_start3A_149 = arith.constant 0 : i32
      %dma_start3A_150 = arith.constant 0 : i32
      %dma_start3A_151 = tpu.memref_slice %arg18[%dma_start3A_149, %dma_start3A_150] : memref<6656x16xf32, #tpu.memory_space<vmem>> -> memref<2560x16xf32, #tpu.memory_space<vmem>>
      %dma_start3A_152 = arith.constant 0 : i32
      %dma_start3A_153 = tpu.memref_slice %arg13[%mul3A_19, %dma_start3A_152] : memref<81920x16xf32, #tpu.memory_space<hbm>> -> memref<2560x16xf32, #tpu.memory_space<hbm>>
      %dma_start3A_154 = arith.constant 0 : i32
      %dma_start3A_155 = tpu.memref_slice %arg13[%mul3A_19, %dma_start3A_154] : memref<81920x16xf32, #tpu.memory_space<hbm>> -> memref<2560x16xf32, #tpu.memory_space<hbm>>
      %dma_start3A_156 = arith.constant 0 : i32
      %dma_start3A_157 = arith.constant 0 : i32
      %dma_start3A_158 = tpu.memref_slice %arg18[%dma_start3A_156, %dma_start3A_157] : memref<6656x16xf32, #tpu.memory_space<vmem>> -> memref<2560x16xf32, #tpu.memory_space<vmem>>
      tpu.enqueue_dma source(%dma_start3A_158 : memref<2560x16xf32, #tpu.memory_space<vmem>>) target(%dma_start3A_155 : memref<2560x16xf32, #tpu.memory_space<hbm>>) target_semaphore(%run_scoped3A : memref<!tpu.dma_semaphore, #tpu.memory_space<semaphore_mem>>)
      %dma_wait3A_159 = arith.constant 0 : i32
      %dma_wait3A_160 = arith.constant 0 : i32
      %dma_wait3A_161 = tpu.memref_slice %arg18[%dma_wait3A_159, %dma_wait3A_160] : memref<6656x16xf32, #tpu.memory_space<vmem>> -> memref<2560x16xf32, #tpu.memory_space<vmem>>
      %dma_wait3A_162 = arith.constant 0 : i32
      %dma_wait3A_163 = tpu.memref_slice %arg13[%mul3A_19, %dma_wait3A_162] : memref<81920x16xf32, #tpu.memory_space<hbm>> -> memref<2560x16xf32, #tpu.memory_space<hbm>>
      %dma_wait3A_164 = arith.constant 0 : i32
      %dma_wait3A_165 = tpu.memref_slice %arg13[%mul3A_19, %dma_wait3A_164] : memref<81920x16xf32, #tpu.memory_space<hbm>> -> memref<2560x16xf32, #tpu.memory_space<hbm>>
      %dma_wait3A_166 = arith.constant 0 : i32
      %dma_wait3A_167 = arith.constant 0 : i32
      %dma_wait3A_168 = tpu.memref_slice %arg18[%dma_wait3A_166, %dma_wait3A_167] : memref<6656x16xf32, #tpu.memory_space<vmem>> -> memref<2560x16xf32, #tpu.memory_space<vmem>>
      tpu.wait_dma2 semaphore(%run_scoped3A : memref<!tpu.dma_semaphore, #tpu.memory_space<semaphore_mem>>) src(%dma_wait3A_168 : memref<2560x16xf32, #tpu.memory_space<vmem>>) dst(%dma_wait3A_165 : memref<2560x16xf32, #tpu.memory_space<hbm>>)
      tpu.yield
    }) : () -> ()
    "tpu.region"() ({
      %run_scoped3A = tpu.sem_alloc : memref<!tpu.dma_semaphore, #tpu.memory_space<semaphore_mem>>
      %dma_start3A_149 = arith.constant 0 : i32
      %dma_start3A_150 = arith.constant 0 : i32
      %dma_start3A_151 = tpu.memref_slice %arg17[%dma_start3A_149, %dma_start3A_150] : memref<52x128xi32, #tpu.memory_space<vmem>> -> memref<20x128xi32, #tpu.memory_space<vmem>>
      %dma_start3A_152 = arith.constant 0 : i32
      %dma_start3A_153 = arith.constant 0 : i32
      %dma_start3A_154 = tpu.memref_slice %arg4[%add3A, %dma_start3A_152, %dma_start3A_153] : memref<32x20x128xi32, #tpu.memory_space<hbm>> -> memref<1x20x128xi32, #tpu.memory_space<hbm>>
      %dma_start3A_155 = tpu.memref_squeeze %dma_start3A_154 : memref<1x20x128xi32, #tpu.memory_space<hbm>> -> memref<20x128xi32, #tpu.memory_space<hbm>>
      %dma_start3A_156 = arith.constant 0 : i32
      %dma_start3A_157 = arith.constant 0 : i32
      %dma_start3A_158 = tpu.memref_slice %arg17[%dma_start3A_156, %dma_start3A_157] : memref<52x128xi32, #tpu.memory_space<vmem>> -> memref<20x128xi32, #tpu.memory_space<vmem>>
      %dma_start3A_159 = arith.constant 0 : i32
      %dma_start3A_160 = arith.constant 0 : i32
      %dma_start3A_161 = tpu.memref_slice %arg4[%add3A, %dma_start3A_159, %dma_start3A_160] : memref<32x20x128xi32, #tpu.memory_space<hbm>> -> memref<1x20x128xi32, #tpu.memory_space<hbm>>
      %dma_start3A_162 = tpu.memref_squeeze %dma_start3A_161 : memref<1x20x128xi32, #tpu.memory_space<hbm>> -> memref<20x128xi32, #tpu.memory_space<hbm>>
      tpu.enqueue_dma source(%dma_start3A_162 : memref<20x128xi32, #tpu.memory_space<hbm>>) target(%dma_start3A_158 : memref<20x128xi32, #tpu.memory_space<vmem>>) target_semaphore(%run_scoped3A : memref<!tpu.dma_semaphore, #tpu.memory_space<semaphore_mem>>)
      %dma_wait3A_163 = arith.constant 0 : i32
      %dma_wait3A_164 = arith.constant 0 : i32
      %dma_wait3A_165 = tpu.memref_slice %arg17[%dma_wait3A_163, %dma_wait3A_164] : memref<52x128xi32, #tpu.memory_space<vmem>> -> memref<20x128xi32, #tpu.memory_space<vmem>>
      %dma_wait3A_166 = arith.constant 0 : i32
      %dma_wait3A_167 = arith.constant 0 : i32
      %dma_wait3A_168 = tpu.memref_slice %arg4[%add3A, %dma_wait3A_166, %dma_wait3A_167] : memref<32x20x128xi32, #tpu.memory_space<hbm>> -> memref<1x20x128xi32, #tpu.memory_space<hbm>>
      %dma_wait3A_169 = tpu.memref_squeeze %dma_wait3A_168 : memref<1x20x128xi32, #tpu.memory_space<hbm>> -> memref<20x128xi32, #tpu.memory_space<hbm>>
      %dma_wait3A_170 = arith.constant 0 : i32
      %dma_wait3A_171 = arith.constant 0 : i32
      %dma_wait3A_172 = tpu.memref_slice %arg17[%dma_wait3A_170, %dma_wait3A_171] : memref<52x128xi32, #tpu.memory_space<vmem>> -> memref<20x128xi32, #tpu.memory_space<vmem>>
      %dma_wait3A_173 = arith.constant 0 : i32
      %dma_wait3A_174 = arith.constant 0 : i32
      %dma_wait3A_175 = tpu.memref_slice %arg4[%add3A, %dma_wait3A_173, %dma_wait3A_174] : memref<32x20x128xi32, #tpu.memory_space<hbm>> -> memref<1x20x128xi32, #tpu.memory_space<hbm>>
      %dma_wait3A_176 = tpu.memref_squeeze %dma_wait3A_175 : memref<1x20x128xi32, #tpu.memory_space<hbm>> -> memref<20x128xi32, #tpu.memory_space<hbm>>
      tpu.wait_dma2 semaphore(%run_scoped3A : memref<!tpu.dma_semaphore, #tpu.memory_space<semaphore_mem>>) src(%dma_wait3A_176 : memref<20x128xi32, #tpu.memory_space<hbm>>) dst(%dma_wait3A_172 : memref<20x128xi32, #tpu.memory_space<vmem>>)
      tpu.yield
    }) : () -> ()
    %scan3A_20 = arith.constant 0 : i32
    %scan3A_21 = arith.constant 0 : i32
    %scan3A_22 = arith.constant 5 : i32
    %scan3A_23 = arith.addi %scan3A_21, %scan3A_22 : i32
    %scan3A_24 = arith.constant 1 : i32
    scf.for %scan3A_149 = %scan3A_21 to %scan3A_23 step %scan3A_24  : i32 {
      %mul3A_150 = arith.constant 4 : i32
      %mul3A_151 = arith.muli %scan3A_149, %mul3A_150 : i32
      %add3A_152 = arith.constant 0 : i32
      %add3A_153 = arith.addi %mul3A_151, %add3A_152 : i32
      %mul3A_154 = arith.constant 4 : i32
      %mul3A_155 = arith.muli %scan3A_149, %mul3A_154 : i32
      %add3A_156 = arith.constant 0 : i32
      %add3A_157 = arith.addi %mul3A_155, %add3A_156 : i32
      %mul3A_158 = arith.constant 128 : i32
      %mul3A_159 = arith.muli %add3A_157, %mul3A_158 : i32
      %dma_start3A_160 = arith.constant 0 : i32
      %dma_start3A_161 = tpu.memref_slice %arg18[%mul3A_159, %dma_start3A_160] : memref<6656x16xf32, #tpu.memory_space<vmem>> -> memref<128x16xf32, #tpu.memory_space<vmem>>
      %dma_start3A_162 = arith.constant 0 : i32
      %dma_start3A_163 = tpu.memref_slice %arg17[%add3A_153, %dma_start3A_162] : memref<52x128xi32, #tpu.memory_space<vmem>> -> memref<1x128xi32, #tpu.memory_space<vmem>>
      %dma_start3A_164 = tpu.memref_squeeze %dma_start3A_163 : memref<1x128xi32, #tpu.memory_space<vmem>> -> memref<128xi32, #tpu.memory_space<vmem>>
      %dma_start3A_165 = arith.constant 0 : i32
      %dma_start3A_166 = arith.constant 0 : i32
      %dma_start3A_167 = tpu.memref_slice %arg9[%dma_start3A_165, %dma_start3A_166] : memref<1000x16xf32, #tpu.memory_space<hbm>> -> memref<1000x16xf32, #tpu.memory_space<hbm>>
      tpu.enqueue_indirect_dma source(%dma_start3A_167 : memref<1000x16xf32, #tpu.memory_space<hbm>>) target(%dma_start3A_161 : memref<128x16xf32, #tpu.memory_space<vmem>>) offsets(%dma_start3A_164 : memref<128xi32, #tpu.memory_space<vmem>>) semaphore(%arg19 : memref<!tpu.dma_semaphore, #tpu.memory_space<semaphore_mem>>)
      %mul3A_168 = arith.constant 4 : i32
      %mul3A_169 = arith.muli %scan3A_149, %mul3A_168 : i32
      %add3A_170 = arith.constant 1 : i32
      %add3A_171 = arith.addi %mul3A_169, %add3A_170 : i32
      %mul3A_172 = arith.constant 4 : i32
      %mul3A_173 = arith.muli %scan3A_149, %mul3A_172 : i32
      %add3A_174 = arith.constant 1 : i32
      %add3A_175 = arith.addi %mul3A_173, %add3A_174 : i32
      %mul3A_176 = arith.constant 128 : i32
      %mul3A_177 = arith.muli %add3A_175, %mul3A_176 : i32
      %dma_start3A_178 = arith.constant 0 : i32
      %dma_start3A_179 = tpu.memref_slice %arg18[%mul3A_177, %dma_start3A_178] : memref<6656x16xf32, #tpu.memory_space<vmem>> -> memref<128x16xf32, #tpu.memory_space<vmem>>
      %dma_start3A_180 = arith.constant 0 : i32
      %dma_start3A_181 = tpu.memref_slice %arg17[%add3A_171, %dma_start3A_180] : memref<52x128xi32, #tpu.memory_space<vmem>> -> memref<1x128xi32, #tpu.memory_space<vmem>>
      %dma_start3A_182 = tpu.memref_squeeze %dma_start3A_181 : memref<1x128xi32, #tpu.memory_space<vmem>> -> memref<128xi32, #tpu.memory_space<vmem>>
      %dma_start3A_183 = arith.constant 0 : i32
      %dma_start3A_184 = arith.constant 0 : i32
      %dma_start3A_185 = tpu.memref_slice %arg9[%dma_start3A_183, %dma_start3A_184] : memref<1000x16xf32, #tpu.memory_space<hbm>> -> memref<1000x16xf32, #tpu.memory_space<hbm>>
      tpu.enqueue_indirect_dma source(%dma_start3A_185 : memref<1000x16xf32, #tpu.memory_space<hbm>>) target(%dma_start3A_179 : memref<128x16xf32, #tpu.memory_space<vmem>>) offsets(%dma_start3A_182 : memref<128xi32, #tpu.memory_space<vmem>>) semaphore(%arg19 : memref<!tpu.dma_semaphore, #tpu.memory_space<semaphore_mem>>)
      %mul3A_186 = arith.constant 4 : i32
      %mul3A_187 = arith.muli %scan3A_149, %mul3A_186 : i32
      %add3A_188 = arith.constant 2 : i32
      %add3A_189 = arith.addi %mul3A_187, %add3A_188 : i32
      %mul3A_190 = arith.constant 4 : i32
      %mul3A_191 = arith.muli %scan3A_149, %mul3A_190 : i32
      %add3A_192 = arith.constant 2 : i32
      %add3A_193 = arith.addi %mul3A_191, %add3A_192 : i32
      %mul3A_194 = arith.constant 128 : i32
      %mul3A_195 = arith.muli %add3A_193, %mul3A_194 : i32
      %dma_start3A_196 = arith.constant 0 : i32
      %dma_start3A_197 = tpu.memref_slice %arg18[%mul3A_195, %dma_start3A_196] : memref<6656x16xf32, #tpu.memory_space<vmem>> -> memref<128x16xf32, #tpu.memory_space<vmem>>
      %dma_start3A_198 = arith.constant 0 : i32
      %dma_start3A_199 = tpu.memref_slice %arg17[%add3A_189, %dma_start3A_198] : memref<52x128xi32, #tpu.memory_space<vmem>> -> memref<1x128xi32, #tpu.memory_space<vmem>>
      %dma_start3A_200 = tpu.memref_squeeze %dma_start3A_199 : memref<1x128xi32, #tpu.memory_space<vmem>> -> memref<128xi32, #tpu.memory_space<vmem>>
      %dma_start3A_201 = arith.constant 0 : i32
      %dma_start3A_202 = arith.constant 0 : i32
      %dma_start3A_203 = tpu.memref_slice %arg9[%dma_start3A_201, %dma_start3A_202] : memref<1000x16xf32, #tpu.memory_space<hbm>> -> memref<1000x16xf32, #tpu.memory_space<hbm>>
      tpu.enqueue_indirect_dma source(%dma_start3A_203 : memref<1000x16xf32, #tpu.memory_space<hbm>>) target(%dma_start3A_197 : memref<128x16xf32, #tpu.memory_space<vmem>>) offsets(%dma_start3A_200 : memref<128xi32, #tpu.memory_space<vmem>>) semaphore(%arg19 : memref<!tpu.dma_semaphore, #tpu.memory_space<semaphore_mem>>)
      %mul3A_204 = arith.constant 4 : i32
      %mul3A_205 = arith.muli %scan3A_149, %mul3A_204 : i32
      %add3A_206 = arith.constant 3 : i32
      %add3A_207 = arith.addi %mul3A_205, %add3A_206 : i32
      %mul3A_208 = arith.constant 4 : i32
      %mul3A_209 = arith.muli %scan3A_149, %mul3A_208 : i32
      %add3A_210 = arith.constant 3 : i32
      %add3A_211 = arith.addi %mul3A_209, %add3A_210 : i32
      %mul3A_212 = arith.constant 128 : i32
      %mul3A_213 = arith.muli %add3A_211, %mul3A_212 : i32
      %dma_start3A_214 = arith.constant 0 : i32
      %dma_start3A_215 = tpu.memref_slice %arg18[%mul3A_213, %dma_start3A_214] : memref<6656x16xf32, #tpu.memory_space<vmem>> -> memref<128x16xf32, #tpu.memory_space<vmem>>
      %dma_start3A_216 = arith.constant 0 : i32
      %dma_start3A_217 = tpu.memref_slice %arg17[%add3A_207, %dma_start3A_216] : memref<52x128xi32, #tpu.memory_space<vmem>> -> memref<1x128xi32, #tpu.memory_space<vmem>>
      %dma_start3A_218 = tpu.memref_squeeze %dma_start3A_217 : memref<1x128xi32, #tpu.memory_space<vmem>> -> memref<128xi32, #tpu.memory_space<vmem>>
      %dma_start3A_219 = arith.constant 0 : i32
      %dma_start3A_220 = arith.constant 0 : i32
      %dma_start3A_221 = tpu.memref_slice %arg9[%dma_start3A_219, %dma_start3A_220] : memref<1000x16xf32, #tpu.memory_space<hbm>> -> memref<1000x16xf32, #tpu.memory_space<hbm>>
      tpu.enqueue_indirect_dma source(%dma_start3A_221 : memref<1000x16xf32, #tpu.memory_space<hbm>>) target(%dma_start3A_215 : memref<128x16xf32, #tpu.memory_space<vmem>>) offsets(%dma_start3A_218 : memref<128xi32, #tpu.memory_space<vmem>>) semaphore(%arg19 : memref<!tpu.dma_semaphore, #tpu.memory_space<semaphore_mem>>)
      %dma_wait3A_222 = arith.constant 0 : i32
      %dma_wait3A_223 = tpu.memref_slice %arg18[%mul3A_159, %dma_wait3A_222] : memref<6656x16xf32, #tpu.memory_space<vmem>> -> memref<128x16xf32, #tpu.memory_space<vmem>>
      %dma_wait3A_224 = arith.constant 0 : i32
      %dma_wait3A_225 = tpu.memref_slice %arg17[%add3A_153, %dma_wait3A_224] : memref<52x128xi32, #tpu.memory_space<vmem>> -> memref<1x128xi32, #tpu.memory_space<vmem>>
      %dma_wait3A_226 = tpu.memref_squeeze %dma_wait3A_225 : memref<1x128xi32, #tpu.memory_space<vmem>> -> memref<128xi32, #tpu.memory_space<vmem>>
      %dma_wait3A_227 = arith.constant 0 : i32
      %dma_wait3A_228 = arith.constant 0 : i32
      %dma_wait3A_229 = tpu.memref_slice %arg9[%dma_wait3A_227, %dma_wait3A_228] : memref<1000x16xf32, #tpu.memory_space<hbm>> -> memref<1000x16xf32, #tpu.memory_space<hbm>>
      tpu.wait_indirect_dma semaphore(%arg19 : memref<!tpu.dma_semaphore, #tpu.memory_space<semaphore_mem>>) src(%dma_wait3A_229 : memref<1000x16xf32, #tpu.memory_space<hbm>>) dst(%dma_wait3A_223 : memref<128x16xf32, #tpu.memory_space<vmem>>)
      %dma_wait3A_230 = arith.constant 0 : i32
      %dma_wait3A_231 = tpu.memref_slice %arg18[%mul3A_177, %dma_wait3A_230] : memref<6656x16xf32, #tpu.memory_space<vmem>> -> memref<128x16xf32, #tpu.memory_space<vmem>>
      %dma_wait3A_232 = arith.constant 0 : i32
      %dma_wait3A_233 = tpu.memref_slice %arg17[%add3A_171, %dma_wait3A_232] : memref<52x128xi32, #tpu.memory_space<vmem>> -> memref<1x128xi32, #tpu.memory_space<vmem>>
      %dma_wait3A_234 = tpu.memref_squeeze %dma_wait3A_233 : memref<1x128xi32, #tpu.memory_space<vmem>> -> memref<128xi32, #tpu.memory_space<vmem>>
      %dma_wait3A_235 = arith.constant 0 : i32
      %dma_wait3A_236 = arith.constant 0 : i32
      %dma_wait3A_237 = tpu.memref_slice %arg9[%dma_wait3A_235, %dma_wait3A_236] : memref<1000x16xf32, #tpu.memory_space<hbm>> -> memref<1000x16xf32, #tpu.memory_space<hbm>>
      tpu.wait_indirect_dma semaphore(%arg19 : memref<!tpu.dma_semaphore, #tpu.memory_space<semaphore_mem>>) src(%dma_wait3A_237 : memref<1000x16xf32, #tpu.memory_space<hbm>>) dst(%dma_wait3A_231 : memref<128x16xf32, #tpu.memory_space<vmem>>)
      %dma_wait3A_238 = arith.constant 0 : i32
      %dma_wait3A_239 = tpu.memref_slice %arg18[%mul3A_195, %dma_wait3A_238] : memref<6656x16xf32, #tpu.memory_space<vmem>> -> memref<128x16xf32, #tpu.memory_space<vmem>>
      %dma_wait3A_240 = arith.constant 0 : i32
      %dma_wait3A_241 = tpu.memref_slice %arg17[%add3A_189, %dma_wait3A_240] : memref<52x128xi32, #tpu.memory_space<vmem>> -> memref<1x128xi32, #tpu.memory_space<vmem>>
      %dma_wait3A_242 = tpu.memref_squeeze %dma_wait3A_241 : memref<1x128xi32, #tpu.memory_space<vmem>> -> memref<128xi32, #tpu.memory_space<vmem>>
      %dma_wait3A_243 = arith.constant 0 : i32
      %dma_wait3A_244 = arith.constant 0 : i32
      %dma_wait3A_245 = tpu.memref_slice %arg9[%dma_wait3A_243, %dma_wait3A_244] : memref<1000x16xf32, #tpu.memory_space<hbm>> -> memref<1000x16xf32, #tpu.memory_space<hbm>>
      tpu.wait_indirect_dma semaphore(%arg19 : memref<!tpu.dma_semaphore, #tpu.memory_space<semaphore_mem>>) src(%dma_wait3A_245 : memref<1000x16xf32, #tpu.memory_space<hbm>>) dst(%dma_wait3A_239 : memref<128x16xf32, #tpu.memory_space<vmem>>)
      %dma_wait3A_246 = arith.constant 0 : i32
      %dma_wait3A_247 = tpu.memref_slice %arg18[%mul3A_213, %dma_wait3A_246] : memref<6656x16xf32, #tpu.memory_space<vmem>> -> memref<128x16xf32, #tpu.memory_space<vmem>>
      %dma_wait3A_248 = arith.constant 0 : i32
      %dma_wait3A_249 = tpu.memref_slice %arg17[%add3A_207, %dma_wait3A_248] : memref<52x128xi32, #tpu.memory_space<vmem>> -> memref<1x128xi32, #tpu.memory_space<vmem>>
      %dma_wait3A_250 = tpu.memref_squeeze %dma_wait3A_249 : memref<1x128xi32, #tpu.memory_space<vmem>> -> memref<128xi32, #tpu.memory_space<vmem>>
      %dma_wait3A_251 = arith.constant 0 : i32
      %dma_wait3A_252 = arith.constant 0 : i32
      %dma_wait3A_253 = tpu.memref_slice %arg9[%dma_wait3A_251, %dma_wait3A_252] : memref<1000x16xf32, #tpu.memory_space<hbm>> -> memref<1000x16xf32, #tpu.memory_space<hbm>>
      tpu.wait_indirect_dma semaphore(%arg19 : memref<!tpu.dma_semaphore, #tpu.memory_space<semaphore_mem>>) src(%dma_wait3A_253 : memref<1000x16xf32, #tpu.memory_space<hbm>>) dst(%dma_wait3A_247 : memref<128x16xf32, #tpu.memory_space<vmem>>)
    }
    %scan3A_25 = arith.constant 5 : i32
    %mul3A_26 = arith.constant 5 : i32
    %mul3A_27 = arith.muli %add3A, %mul3A_26 : i32
    %mul3A_28 = arith.constant 512 : i32
    %mul3A_29 = arith.muli %mul3A_27, %mul3A_28 : i32
    "tpu.region"() ({
      %run_scoped3A = tpu.sem_alloc : memref<!tpu.dma_semaphore, #tpu.memory_space<semaphore_mem>>
      %dma_start3A_149 = arith.constant 0 : i32
      %dma_start3A_150 = arith.constant 0 : i32
      %dma_start3A_151 = tpu.memref_slice %arg18[%dma_start3A_149, %dma_start3A_150] : memref<6656x16xf32, #tpu.memory_space<vmem>> -> memref<2560x16xf32, #tpu.memory_space<vmem>>
      %dma_start3A_152 = arith.constant 0 : i32
      %dma_start3A_153 = tpu.memref_slice %arg14[%mul3A_29, %dma_start3A_152] : memref<81920x16xf32, #tpu.memory_space<hbm>> -> memref<2560x16xf32, #tpu.memory_space<hbm>>
      %dma_start3A_154 = arith.constant 0 : i32
      %dma_start3A_155 = tpu.memref_slice %arg14[%mul3A_29, %dma_start3A_154] : memref<81920x16xf32, #tpu.memory_space<hbm>> -> memref<2560x16xf32, #tpu.memory_space<hbm>>
      %dma_start3A_156 = arith.constant 0 : i32
      %dma_start3A_157 = arith.constant 0 : i32
      %dma_start3A_158 = tpu.memref_slice %arg18[%dma_start3A_156, %dma_start3A_157] : memref<6656x16xf32, #tpu.memory_space<vmem>> -> memref<2560x16xf32, #tpu.memory_space<vmem>>
      tpu.enqueue_dma source(%dma_start3A_158 : memref<2560x16xf32, #tpu.memory_space<vmem>>) target(%dma_start3A_155 : memref<2560x16xf32, #tpu.memory_space<hbm>>) target_semaphore(%run_scoped3A : memref<!tpu.dma_semaphore, #tpu.memory_space<semaphore_mem>>)
      %dma_wait3A_159 = arith.constant 0 : i32
      %dma_wait3A_160 = arith.constant 0 : i32
      %dma_wait3A_161 = tpu.memref_slice %arg18[%dma_wait3A_159, %dma_wait3A_160] : memref<6656x16xf32, #tpu.memory_space<vmem>> -> memref<2560x16xf32, #tpu.memory_space<vmem>>
      %dma_wait3A_162 = arith.constant 0 : i32
      %dma_wait3A_163 = tpu.memref_slice %arg14[%mul3A_29, %dma_wait3A_162] : memref<81920x16xf32, #tpu.memory_space<hbm>> -> memref<2560x16xf32, #tpu.memory_space<hbm>>
      %dma_wait3A_164 = arith.constant 0 : i32
      %dma_wait3A_165 = tpu.memref_slice %arg14[%mul3A_29, %dma_wait3A_164] : memref<81920x16xf32, #tpu.memory_space<hbm>> -> memref<2560x16xf32, #tpu.memory_space<hbm>>
      %dma_wait3A_166 = arith.constant 0 : i32
      %dma_wait3A_167 = arith.constant 0 : i32
      %dma_wait3A_168 = tpu.memref_slice %arg18[%dma_wait3A_166, %dma_wait3A_167] : memref<6656x16xf32, #tpu.memory_space<vmem>> -> memref<2560x16xf32, #tpu.memory_space<vmem>>
      tpu.wait_dma2 semaphore(%run_scoped3A : memref<!tpu.dma_semaphore, #tpu.memory_space<semaphore_mem>>) src(%dma_wait3A_168 : memref<2560x16xf32, #tpu.memory_space<vmem>>) dst(%dma_wait3A_165 : memref<2560x16xf32, #tpu.memory_space<hbm>>)
      tpu.yield
    }) : () -> ()
    "tpu.region"() ({
      %run_scoped3A = tpu.sem_alloc : memref<!tpu.dma_semaphore, #tpu.memory_space<semaphore_mem>>
      %dma_start3A_149 = arith.constant 0 : i32
      %dma_start3A_150 = arith.constant 0 : i32
      %dma_start3A_151 = tpu.memref_slice %arg17[%dma_start3A_149, %dma_start3A_150] : memref<52x128xi32, #tpu.memory_space<vmem>> -> memref<20x128xi32, #tpu.memory_space<vmem>>
      %dma_start3A_152 = arith.constant 0 : i32
      %dma_start3A_153 = arith.constant 0 : i32
      %dma_start3A_154 = tpu.memref_slice %arg5[%add3A, %dma_start3A_152, %dma_start3A_153] : memref<32x20x128xi32, #tpu.memory_space<hbm>> -> memref<1x20x128xi32, #tpu.memory_space<hbm>>
      %dma_start3A_155 = tpu.memref_squeeze %dma_start3A_154 : memref<1x20x128xi32, #tpu.memory_space<hbm>> -> memref<20x128xi32, #tpu.memory_space<hbm>>
      %dma_start3A_156 = arith.constant 0 : i32
      %dma_start3A_157 = arith.constant 0 : i32
      %dma_start3A_158 = tpu.memref_slice %arg17[%dma_start3A_156, %dma_start3A_157] : memref<52x128xi32, #tpu.memory_space<vmem>> -> memref<20x128xi32, #tpu.memory_space<vmem>>
      %dma_start3A_159 = arith.constant 0 : i32
      %dma_start3A_160 = arith.constant 0 : i32
      %dma_start3A_161 = tpu.memref_slice %arg5[%add3A, %dma_start3A_159, %dma_start3A_160] : memref<32x20x128xi32, #tpu.memory_space<hbm>> -> memref<1x20x128xi32, #tpu.memory_space<hbm>>
      %dma_start3A_162 = tpu.memref_squeeze %dma_start3A_161 : memref<1x20x128xi32, #tpu.memory_space<hbm>> -> memref<20x128xi32, #tpu.memory_space<hbm>>
      tpu.enqueue_dma source(%dma_start3A_162 : memref<20x128xi32, #tpu.memory_space<hbm>>) target(%dma_start3A_158 : memref<20x128xi32, #tpu.memory_space<vmem>>) target_semaphore(%run_scoped3A : memref<!tpu.dma_semaphore, #tpu.memory_space<semaphore_mem>>)
      %dma_wait3A_163 = arith.constant 0 : i32
      %dma_wait3A_164 = arith.constant 0 : i32
      %dma_wait3A_165 = tpu.memref_slice %arg17[%dma_wait3A_163, %dma_wait3A_164] : memref<52x128xi32, #tpu.memory_space<vmem>> -> memref<20x128xi32, #tpu.memory_space<vmem>>
      %dma_wait3A_166 = arith.constant 0 : i32
      %dma_wait3A_167 = arith.constant 0 : i32
      %dma_wait3A_168 = tpu.memref_slice %arg5[%add3A, %dma_wait3A_166, %dma_wait3A_167] : memref<32x20x128xi32, #tpu.memory_space<hbm>> -> memref<1x20x128xi32, #tpu.memory_space<hbm>>
      %dma_wait3A_169 = tpu.memref_squeeze %dma_wait3A_168 : memref<1x20x128xi32, #tpu.memory_space<hbm>> -> memref<20x128xi32, #tpu.memory_space<hbm>>
      %dma_wait3A_170 = arith.constant 0 : i32
      %dma_wait3A_171 = arith.constant 0 : i32
      %dma_wait3A_172 = tpu.memref_slice %arg17[%dma_wait3A_170, %dma_wait3A_171] : memref<52x128xi32, #tpu.memory_space<vmem>> -> memref<20x128xi32, #tpu.memory_space<vmem>>
      %dma_wait3A_173 = arith.constant 0 : i32
      %dma_wait3A_174 = arith.constant 0 : i32
      %dma_wait3A_175 = tpu.memref_slice %arg5[%add3A, %dma_wait3A_173, %dma_wait3A_174] : memref<32x20x128xi32, #tpu.memory_space<hbm>> -> memref<1x20x128xi32, #tpu.memory_space<hbm>>
      %dma_wait3A_176 = tpu.memref_squeeze %dma_wait3A_175 : memref<1x20x128xi32, #tpu.memory_space<hbm>> -> memref<20x128xi32, #tpu.memory_space<hbm>>
      tpu.wait_dma2 semaphore(%run_scoped3A : memref<!tpu.dma_semaphore, #tpu.memory_space<semaphore_mem>>) src(%dma_wait3A_176 : memref<20x128xi32, #tpu.memory_space<hbm>>) dst(%dma_wait3A_172 : memref<20x128xi32, #tpu.memory_space<vmem>>)
      tpu.yield
    }) : () -> ()
    %scan3A_30 = arith.constant 0 : i32
    %scan3A_31 = arith.constant 0 : i32
    %scan3A_32 = arith.constant 5 : i32
    %scan3A_33 = arith.addi %scan3A_31, %scan3A_32 : i32
    %scan3A_34 = arith.constant 1 : i32
    scf.for %scan3A_149 = %scan3A_31 to %scan3A_33 step %scan3A_34  : i32 {
      %mul3A_150 = arith.constant 4 : i32
      %mul3A_151 = arith.muli %scan3A_149, %mul3A_150 : i32
      %add3A_152 = arith.constant 0 : i32
      %add3A_153 = arith.addi %mul3A_151, %add3A_152 : i32
      %mul3A_154 = arith.constant 4 : i32
      %mul3A_155 = arith.muli %scan3A_149, %mul3A_154 : i32
      %add3A_156 = arith.constant 0 : i32
      %add3A_157 = arith.addi %mul3A_155, %add3A_156 : i32
      %mul3A_158 = arith.constant 128 : i32
      %mul3A_159 = arith.muli %add3A_157, %mul3A_158 : i32
      %dma_start3A_160 = arith.constant 0 : i32
      %dma_start3A_161 = tpu.memref_slice %arg18[%mul3A_159, %dma_start3A_160] : memref<6656x16xf32, #tpu.memory_space<vmem>> -> memref<128x16xf32, #tpu.memory_space<vmem>>
      %dma_start3A_162 = arith.constant 0 : i32
      %dma_start3A_163 = tpu.memref_slice %arg17[%add3A_153, %dma_start3A_162] : memref<52x128xi32, #tpu.memory_space<vmem>> -> memref<1x128xi32, #tpu.memory_space<vmem>>
      %dma_start3A_164 = tpu.memref_squeeze %dma_start3A_163 : memref<1x128xi32, #tpu.memory_space<vmem>> -> memref<128xi32, #tpu.memory_space<vmem>>
      %dma_start3A_165 = arith.constant 0 : i32
      %dma_start3A_166 = arith.constant 0 : i32
      %dma_start3A_167 = tpu.memref_slice %arg10[%dma_start3A_165, %dma_start3A_166] : memref<100x16xf32, #tpu.memory_space<hbm>> -> memref<100x16xf32, #tpu.memory_space<hbm>>
      tpu.enqueue_indirect_dma source(%dma_start3A_167 : memref<100x16xf32, #tpu.memory_space<hbm>>) target(%dma_start3A_161 : memref<128x16xf32, #tpu.memory_space<vmem>>) offsets(%dma_start3A_164 : memref<128xi32, #tpu.memory_space<vmem>>) semaphore(%arg19 : memref<!tpu.dma_semaphore, #tpu.memory_space<semaphore_mem>>)
      %mul3A_168 = arith.constant 4 : i32
      %mul3A_169 = arith.muli %scan3A_149, %mul3A_168 : i32
      %add3A_170 = arith.constant 1 : i32
      %add3A_171 = arith.addi %mul3A_169, %add3A_170 : i32
      %mul3A_172 = arith.constant 4 : i32
      %mul3A_173 = arith.muli %scan3A_149, %mul3A_172 : i32
      %add3A_174 = arith.constant 1 : i32
      %add3A_175 = arith.addi %mul3A_173, %add3A_174 : i32
      %mul3A_176 = arith.constant 128 : i32
      %mul3A_177 = arith.muli %add3A_175, %mul3A_176 : i32
      %dma_start3A_178 = arith.constant 0 : i32
      %dma_start3A_179 = tpu.memref_slice %arg18[%mul3A_177, %dma_start3A_178] : memref<6656x16xf32, #tpu.memory_space<vmem>> -> memref<128x16xf32, #tpu.memory_space<vmem>>
      %dma_start3A_180 = arith.constant 0 : i32
      %dma_start3A_181 = tpu.memref_slice %arg17[%add3A_171, %dma_start3A_180] : memref<52x128xi32, #tpu.memory_space<vmem>> -> memref<1x128xi32, #tpu.memory_space<vmem>>
      %dma_start3A_182 = tpu.memref_squeeze %dma_start3A_181 : memref<1x128xi32, #tpu.memory_space<vmem>> -> memref<128xi32, #tpu.memory_space<vmem>>
      %dma_start3A_183 = arith.constant 0 : i32
      %dma_start3A_184 = arith.constant 0 : i32
      %dma_start3A_185 = tpu.memref_slice %arg10[%dma_start3A_183, %dma_start3A_184] : memref<100x16xf32, #tpu.memory_space<hbm>> -> memref<100x16xf32, #tpu.memory_space<hbm>>
      tpu.enqueue_indirect_dma source(%dma_start3A_185 : memref<100x16xf32, #tpu.memory_space<hbm>>) target(%dma_start3A_179 : memref<128x16xf32, #tpu.memory_space<vmem>>) offsets(%dma_start3A_182 : memref<128xi32, #tpu.memory_space<vmem>>) semaphore(%arg19 : memref<!tpu.dma_semaphore, #tpu.memory_space<semaphore_mem>>)
      %mul3A_186 = arith.constant 4 : i32
      %mul3A_187 = arith.muli %scan3A_149, %mul3A_186 : i32
      %add3A_188 = arith.constant 2 : i32
      %add3A_189 = arith.addi %mul3A_187, %add3A_188 : i32
      %mul3A_190 = arith.constant 4 : i32
      %mul3A_191 = arith.muli %scan3A_149, %mul3A_190 : i32
      %add3A_192 = arith.constant 2 : i32
      %add3A_193 = arith.addi %mul3A_191, %add3A_192 : i32
      %mul3A_194 = arith.constant 128 : i32
      %mul3A_195 = arith.muli %add3A_193, %mul3A_194 : i32
      %dma_start3A_196 = arith.constant 0 : i32
      %dma_start3A_197 = tpu.memref_slice %arg18[%mul3A_195, %dma_start3A_196] : memref<6656x16xf32, #tpu.memory_space<vmem>> -> memref<128x16xf32, #tpu.memory_space<vmem>>
      %dma_start3A_198 = arith.constant 0 : i32
      %dma_start3A_199 = tpu.memref_slice %arg17[%add3A_189, %dma_start3A_198] : memref<52x128xi32, #tpu.memory_space<vmem>> -> memref<1x128xi32, #tpu.memory_space<vmem>>
      %dma_start3A_200 = tpu.memref_squeeze %dma_start3A_199 : memref<1x128xi32, #tpu.memory_space<vmem>> -> memref<128xi32, #tpu.memory_space<vmem>>
      %dma_start3A_201 = arith.constant 0 : i32
      %dma_start3A_202 = arith.constant 0 : i32
      %dma_start3A_203 = tpu.memref_slice %arg10[%dma_start3A_201, %dma_start3A_202] : memref<100x16xf32, #tpu.memory_space<hbm>> -> memref<100x16xf32, #tpu.memory_space<hbm>>
      tpu.enqueue_indirect_dma source(%dma_start3A_203 : memref<100x16xf32, #tpu.memory_space<hbm>>) target(%dma_start3A_197 : memref<128x16xf32, #tpu.memory_space<vmem>>) offsets(%dma_start3A_200 : memref<128xi32, #tpu.memory_space<vmem>>) semaphore(%arg19 : memref<!tpu.dma_semaphore, #tpu.memory_space<semaphore_mem>>)
      %mul3A_204 = arith.constant 4 : i32
      %mul3A_205 = arith.muli %scan3A_149, %mul3A_204 : i32
      %add3A_206 = arith.constant 3 : i32
      %add3A_207 = arith.addi %mul3A_205, %add3A_206 : i32
      %mul3A_208 = arith.constant 4 : i32
      %mul3A_209 = arith.muli %scan3A_149, %mul3A_208 : i32
      %add3A_210 = arith.constant 3 : i32
      %add3A_211 = arith.addi %mul3A_209, %add3A_210 : i32
      %mul3A_212 = arith.constant 128 : i32
      %mul3A_213 = arith.muli %add3A_211, %mul3A_212 : i32
      %dma_start3A_214 = arith.constant 0 : i32
      %dma_start3A_215 = tpu.memref_slice %arg18[%mul3A_213, %dma_start3A_214] : memref<6656x16xf32, #tpu.memory_space<vmem>> -> memref<128x16xf32, #tpu.memory_space<vmem>>
      %dma_start3A_216 = arith.constant 0 : i32
      %dma_start3A_217 = tpu.memref_slice %arg17[%add3A_207, %dma_start3A_216] : memref<52x128xi32, #tpu.memory_space<vmem>> -> memref<1x128xi32, #tpu.memory_space<vmem>>
      %dma_start3A_218 = tpu.memref_squeeze %dma_start3A_217 : memref<1x128xi32, #tpu.memory_space<vmem>> -> memref<128xi32, #tpu.memory_space<vmem>>
      %dma_start3A_219 = arith.constant 0 : i32
      %dma_start3A_220 = arith.constant 0 : i32
      %dma_start3A_221 = tpu.memref_slice %arg10[%dma_start3A_219, %dma_start3A_220] : memref<100x16xf32, #tpu.memory_space<hbm>> -> memref<100x16xf32, #tpu.memory_space<hbm>>
      tpu.enqueue_indirect_dma source(%dma_start3A_221 : memref<100x16xf32, #tpu.memory_space<hbm>>) target(%dma_start3A_215 : memref<128x16xf32, #tpu.memory_space<vmem>>) offsets(%dma_start3A_218 : memref<128xi32, #tpu.memory_space<vmem>>) semaphore(%arg19 : memref<!tpu.dma_semaphore, #tpu.memory_space<semaphore_mem>>)
      %dma_wait3A_222 = arith.constant 0 : i32
      %dma_wait3A_223 = tpu.memref_slice %arg18[%mul3A_159, %dma_wait3A_222] : memref<6656x16xf32, #tpu.memory_space<vmem>> -> memref<128x16xf32, #tpu.memory_space<vmem>>
      %dma_wait3A_224 = arith.constant 0 : i32
      %dma_wait3A_225 = tpu.memref_slice %arg17[%add3A_153, %dma_wait3A_224] : memref<52x128xi32, #tpu.memory_space<vmem>> -> memref<1x128xi32, #tpu.memory_space<vmem>>
      %dma_wait3A_226 = tpu.memref_squeeze %dma_wait3A_225 : memref<1x128xi32, #tpu.memory_space<vmem>> -> memref<128xi32, #tpu.memory_space<vmem>>
      %dma_wait3A_227 = arith.constant 0 : i32
      %dma_wait3A_228 = arith.constant 0 : i32
      %dma_wait3A_229 = tpu.memref_slice %arg10[%dma_wait3A_227, %dma_wait3A_228] : memref<100x16xf32, #tpu.memory_space<hbm>> -> memref<100x16xf32, #tpu.memory_space<hbm>>
      tpu.wait_indirect_dma semaphore(%arg19 : memref<!tpu.dma_semaphore, #tpu.memory_space<semaphore_mem>>) src(%dma_wait3A_229 : memref<100x16xf32, #tpu.memory_space<hbm>>) dst(%dma_wait3A_223 : memref<128x16xf32, #tpu.memory_space<vmem>>)
      %dma_wait3A_230 = arith.constant 0 : i32
      %dma_wait3A_231 = tpu.memref_slice %arg18[%mul3A_177, %dma_wait3A_230] : memref<6656x16xf32, #tpu.memory_space<vmem>> -> memref<128x16xf32, #tpu.memory_space<vmem>>
      %dma_wait3A_232 = arith.constant 0 : i32
      %dma_wait3A_233 = tpu.memref_slice %arg17[%add3A_171, %dma_wait3A_232] : memref<52x128xi32, #tpu.memory_space<vmem>> -> memref<1x128xi32, #tpu.memory_space<vmem>>
      %dma_wait3A_234 = tpu.memref_squeeze %dma_wait3A_233 : memref<1x128xi32, #tpu.memory_space<vmem>> -> memref<128xi32, #tpu.memory_space<vmem>>
      %dma_wait3A_235 = arith.constant 0 : i32
      %dma_wait3A_236 = arith.constant 0 : i32
      %dma_wait3A_237 = tpu.memref_slice %arg10[%dma_wait3A_235, %dma_wait3A_236] : memref<100x16xf32, #tpu.memory_space<hbm>> -> memref<100x16xf32, #tpu.memory_space<hbm>>
      tpu.wait_indirect_dma semaphore(%arg19 : memref<!tpu.dma_semaphore, #tpu.memory_space<semaphore_mem>>) src(%dma_wait3A_237 : memref<100x16xf32, #tpu.memory_space<hbm>>) dst(%dma_wait3A_231 : memref<128x16xf32, #tpu.memory_space<vmem>>)
      %dma_wait3A_238 = arith.constant 0 : i32
      %dma_wait3A_239 = tpu.memref_slice %arg18[%mul3A_195, %dma_wait3A_238] : memref<6656x16xf32, #tpu.memory_space<vmem>> -> memref<128x16xf32, #tpu.memory_space<vmem>>
      %dma_wait3A_240 = arith.constant 0 : i32
      %dma_wait3A_241 = tpu.memref_slice %arg17[%add3A_189, %dma_wait3A_240] : memref<52x128xi32, #tpu.memory_space<vmem>> -> memref<1x128xi32, #tpu.memory_space<vmem>>
      %dma_wait3A_242 = tpu.memref_squeeze %dma_wait3A_241 : memref<1x128xi32, #tpu.memory_space<vmem>> -> memref<128xi32, #tpu.memory_space<vmem>>
      %dma_wait3A_243 = arith.constant 0 : i32
      %dma_wait3A_244 = arith.constant 0 : i32
      %dma_wait3A_245 = tpu.memref_slice %arg10[%dma_wait3A_243, %dma_wait3A_244] : memref<100x16xf32, #tpu.memory_space<hbm>> -> memref<100x16xf32, #tpu.memory_space<hbm>>
      tpu.wait_indirect_dma semaphore(%arg19 : memref<!tpu.dma_semaphore, #tpu.memory_space<semaphore_mem>>) src(%dma_wait3A_245 : memref<100x16xf32, #tpu.memory_space<hbm>>) dst(%dma_wait3A_239 : memref<128x16xf32, #tpu.memory_space<vmem>>)
      %dma_wait3A_246 = arith.constant 0 : i32
      %dma_wait3A_247 = tpu.memref_slice %arg18[%mul3A_213, %dma_wait3A_246] : memref<6656x16xf32, #tpu.memory_space<vmem>> -> memref<128x16xf32, #tpu.memory_space<vmem>>
      %dma_wait3A_248 = arith.constant 0 : i32
      %dma_wait3A_249 = tpu.memref_slice %arg17[%add3A_207, %dma_wait3A_248] : memref<52x128xi32, #tpu.memory_space<vmem>> -> memref<1x128xi32, #tpu.memory_space<vmem>>
      %dma_wait3A_250 = tpu.memref_squeeze %dma_wait3A_249 : memref<1x128xi32, #tpu.memory_space<vmem>> -> memref<128xi32, #tpu.memory_space<vmem>>
      %dma_wait3A_251 = arith.constant 0 : i32
      %dma_wait3A_252 = arith.constant 0 : i32
      %dma_wait3A_253 = tpu.memref_slice %arg10[%dma_wait3A_251, %dma_wait3A_252] : memref<100x16xf32, #tpu.memory_space<hbm>> -> memref<100x16xf32, #tpu.memory_space<hbm>>
      tpu.wait_indirect_dma semaphore(%arg19 : memref<!tpu.dma_semaphore, #tpu.memory_space<semaphore_mem>>) src(%dma_wait3A_253 : memref<100x16xf32, #tpu.memory_space<hbm>>) dst(%dma_wait3A_247 : memref<128x16xf32, #tpu.memory_space<vmem>>)
    }
    %scan3A_35 = arith.constant 5 : i32
    %mul3A_36 = arith.constant 5 : i32
    %mul3A_37 = arith.muli %add3A, %mul3A_36 : i32
    %mul3A_38 = arith.constant 512 : i32
    %mul3A_39 = arith.muli %mul3A_37, %mul3A_38 : i32
    "tpu.region"() ({
      %run_scoped3A = tpu.sem_alloc : memref<!tpu.dma_semaphore, #tpu.memory_space<semaphore_mem>>
      %dma_start3A_149 = arith.constant 0 : i32
      %dma_start3A_150 = arith.constant 0 : i32
      %dma_start3A_151 = tpu.memref_slice %arg18[%dma_start3A_149, %dma_start3A_150] : memref<6656x16xf32, #tpu.memory_space<vmem>> -> memref<2560x16xf32, #tpu.memory_space<vmem>>
      %dma_start3A_152 = arith.constant 0 : i32
      %dma_start3A_153 = tpu.memref_slice %arg15[%mul3A_39, %dma_start3A_152] : memref<81920x16xf32, #tpu.memory_space<hbm>> -> memref<2560x16xf32, #tpu.memory_space<hbm>>
      %dma_start3A_154 = arith.constant 0 : i32
      %dma_start3A_155 = tpu.memref_slice %arg15[%mul3A_39, %dma_start3A_154] : memref<81920x16xf32, #tpu.memory_space<hbm>> -> memref<2560x16xf32, #tpu.memory_space<hbm>>
      %dma_start3A_156 = arith.constant 0 : i32
      %dma_start3A_157 = arith.constant 0 : i32
      %dma_start3A_158 = tpu.memref_slice %arg18[%dma_start3A_156, %dma_start3A_157] : memref<6656x16xf32, #tpu.memory_space<vmem>> -> memref<2560x16xf32, #tpu.memory_space<vmem>>
      tpu.enqueue_dma source(%dma_start3A_158 : memref<2560x16xf32, #tpu.memory_space<vmem>>) target(%dma_start3A_155 : memref<2560x16xf32, #tpu.memory_space<hbm>>) target_semaphore(%run_scoped3A : memref<!tpu.dma_semaphore, #tpu.memory_space<semaphore_mem>>)
      %dma_wait3A_159 = arith.constant 0 : i32
      %dma_wait3A_160 = arith.constant 0 : i32
      %dma_wait3A_161 = tpu.memref_slice %arg18[%dma_wait3A_159, %dma_wait3A_160] : memref<6656x16xf32, #tpu.memory_space<vmem>> -> memref<2560x16xf32, #tpu.memory_space<vmem>>
      %dma_wait3A_162 = arith.constant 0 : i32
      %dma_wait3A_163 = tpu.memref_slice %arg15[%mul3A_39, %dma_wait3A_162] : memref<81920x16xf32, #tpu.memory_space<hbm>> -> memref<2560x16xf32, #tpu.memory_space<hbm>>
      %dma_wait3A_164 = arith.constant 0 : i32
      %dma_wait3A_165 = tpu.memref_slice %arg15[%mul3A_39, %dma_wait3A_164] : memref<81920x16xf32, #tpu.memory_space<hbm>> -> memref<2560x16xf32, #tpu.memory_space<hbm>>
      %dma_wait3A_166 = arith.constant 0 : i32
      %dma_wait3A_167 = arith.constant 0 : i32
      %dma_wait3A_168 = tpu.memref_slice %arg18[%dma_wait3A_166, %dma_wait3A_167] : memref<6656x16xf32, #tpu.memory_space<vmem>> -> memref<2560x16xf32, #tpu.memory_space<vmem>>
      tpu.wait_dma2 semaphore(%run_scoped3A : memref<!tpu.dma_semaphore, #tpu.memory_space<semaphore_mem>>) src(%dma_wait3A_168 : memref<2560x16xf32, #tpu.memory_space<vmem>>) dst(%dma_wait3A_165 : memref<2560x16xf32, #tpu.memory_space<hbm>>)
      tpu.yield
    }) : () -> ()
    "tpu.region"() ({
      %run_scoped3A = tpu.sem_alloc : memref<!tpu.dma_semaphore, #tpu.memory_space<semaphore_mem>>
      %dma_start3A_149 = arith.constant 0 : i32
      %dma_start3A_150 = arith.constant 0 : i32
      %dma_start3A_151 = tpu.memref_slice %arg17[%dma_start3A_149, %dma_start3A_150] : memref<52x128xi32, #tpu.memory_space<vmem>> -> memref<4x128xi32, #tpu.memory_space<vmem>>
      %dma_start3A_152 = arith.constant 0 : i32
      %dma_start3A_153 = arith.constant 0 : i32
      %dma_start3A_154 = tpu.memref_slice %arg6[%add3A, %dma_start3A_152, %dma_start3A_153] : memref<32x4x128xi32, #tpu.memory_space<hbm>> -> memref<1x4x128xi32, #tpu.memory_space<hbm>>
      %dma_start3A_155 = tpu.memref_squeeze %dma_start3A_154 : memref<1x4x128xi32, #tpu.memory_space<hbm>> -> memref<4x128xi32, #tpu.memory_space<hbm>>
      %dma_start3A_156 = arith.constant 0 : i32
      %dma_start3A_157 = arith.constant 0 : i32
      %dma_start3A_158 = tpu.memref_slice %arg17[%dma_start3A_156, %dma_start3A_157] : memref<52x128xi32, #tpu.memory_space<vmem>> -> memref<4x128xi32, #tpu.memory_space<vmem>>
      %dma_start3A_159 = arith.constant 0 : i32
      %dma_start3A_160 = arith.constant 0 : i32
      %dma_start3A_161 = tpu.memref_slice %arg6[%add3A, %dma_start3A_159, %dma_start3A_160] : memref<32x4x128xi32, #tpu.memory_space<hbm>> -> memref<1x4x128xi32, #tpu.memory_space<hbm>>
      %dma_start3A_162 = tpu.memref_squeeze %dma_start3A_161 : memref<1x4x128xi32, #tpu.memory_space<hbm>> -> memref<4x128xi32, #tpu.memory_space<hbm>>
      tpu.enqueue_dma source(%dma_start3A_162 : memref<4x128xi32, #tpu.memory_space<hbm>>) target(%dma_start3A_158 : memref<4x128xi32, #tpu.memory_space<vmem>>) target_semaphore(%run_scoped3A : memref<!tpu.dma_semaphore, #tpu.memory_space<semaphore_mem>>)
      %dma_wait3A_163 = arith.constant 0 : i32
      %dma_wait3A_164 = arith.constant 0 : i32
      %dma_wait3A_165 = tpu.memref_slice %arg17[%dma_wait3A_163, %dma_wait3A_164] : memref<52x128xi32, #tpu.memory_space<vmem>> -> memref<4x128xi32, #tpu.memory_space<vmem>>
      %dma_wait3A_166 = arith.constant 0 : i32
      %dma_wait3A_167 = arith.constant 0 : i32
      %dma_wait3A_168 = tpu.memref_slice %arg6[%add3A, %dma_wait3A_166, %dma_wait3A_167] : memref<32x4x128xi32, #tpu.memory_space<hbm>> -> memref<1x4x128xi32, #tpu.memory_space<hbm>>
      %dma_wait3A_169 = tpu.memref_squeeze %dma_wait3A_168 : memref<1x4x128xi32, #tpu.memory_space<hbm>> -> memref<4x128xi32, #tpu.memory_space<hbm>>
      %dma_wait3A_170 = arith.constant 0 : i32
      %dma_wait3A_171 = arith.constant 0 : i32
      %dma_wait3A_172 = tpu.memref_slice %arg17[%dma_wait3A_170, %dma_wait3A_171] : memref<52x128xi32, #tpu.memory_space<vmem>> -> memref<4x128xi32, #tpu.memory_space<vmem>>
      %dma_wait3A_173 = arith.constant 0 : i32
      %dma_wait3A_174 = arith.constant 0 : i32
      %dma_wait3A_175 = tpu.memref_slice %arg6[%add3A, %dma_wait3A_173, %dma_wait3A_174] : memref<32x4x128xi32, #tpu.memory_space<hbm>> -> memref<1x4x128xi32, #tpu.memory_space<hbm>>
      %dma_wait3A_176 = tpu.memref_squeeze %dma_wait3A_175 : memref<1x4x128xi32, #tpu.memory_space<hbm>> -> memref<4x128xi32, #tpu.memory_space<hbm>>
      tpu.wait_dma2 semaphore(%run_scoped3A : memref<!tpu.dma_semaphore, #tpu.memory_space<semaphore_mem>>) src(%dma_wait3A_176 : memref<4x128xi32, #tpu.memory_space<hbm>>) dst(%dma_wait3A_172 : memref<4x128xi32, #tpu.memory_space<vmem>>)
      tpu.yield
    }) : () -> ()
    %scan3A_40 = arith.constant 0 : i32
    %scan3A_41 = arith.constant 0 : i32
    %mul3A_42 = arith.constant 4 : i32
    %mul3A_43 = arith.muli %scan3A_41, %mul3A_42 : i32
    %add3A_44 = arith.constant 0 : i32
    %add3A_45 = arith.addi %mul3A_43, %add3A_44 : i32
    %mul3A_46 = arith.constant 4 : i32
    %mul3A_47 = arith.muli %scan3A_41, %mul3A_46 : i32
    %add3A_48 = arith.constant 0 : i32
    %add3A_49 = arith.addi %mul3A_47, %add3A_48 : i32
    %mul3A_50 = arith.constant 128 : i32
    %mul3A_51 = arith.muli %add3A_49, %mul3A_50 : i32
    %dma_start3A = arith.constant 0 : i32
    %dma_start3A_52 = tpu.memref_slice %arg18[%mul3A_51, %dma_start3A] : memref<6656x16xf32, #tpu.memory_space<vmem>> -> memref<128x16xf32, #tpu.memory_space<vmem>>
    %dma_start3A_53 = arith.constant 0 : i32
    %dma_start3A_54 = tpu.memref_slice %arg17[%add3A_45, %dma_start3A_53] : memref<52x128xi32, #tpu.memory_space<vmem>> -> memref<1x128xi32, #tpu.memory_space<vmem>>
    %dma_start3A_55 = tpu.memref_squeeze %dma_start3A_54 : memref<1x128xi32, #tpu.memory_space<vmem>> -> memref<128xi32, #tpu.memory_space<vmem>>
    %dma_start3A_56 = arith.constant 0 : i32
    %dma_start3A_57 = arith.constant 0 : i32
    %dma_start3A_58 = tpu.memref_slice %arg11[%dma_start3A_56, %dma_start3A_57] : memref<100x16xf32, #tpu.memory_space<hbm>> -> memref<100x16xf32, #tpu.memory_space<hbm>>
    tpu.enqueue_indirect_dma source(%dma_start3A_58 : memref<100x16xf32, #tpu.memory_space<hbm>>) target(%dma_start3A_52 : memref<128x16xf32, #tpu.memory_space<vmem>>) offsets(%dma_start3A_55 : memref<128xi32, #tpu.memory_space<vmem>>) semaphore(%arg19 : memref<!tpu.dma_semaphore, #tpu.memory_space<semaphore_mem>>)
    %mul3A_59 = arith.constant 4 : i32
    %mul3A_60 = arith.muli %scan3A_41, %mul3A_59 : i32
    %add3A_61 = arith.constant 1 : i32
    %add3A_62 = arith.addi %mul3A_60, %add3A_61 : i32
    %mul3A_63 = arith.constant 4 : i32
    %mul3A_64 = arith.muli %scan3A_41, %mul3A_63 : i32
    %add3A_65 = arith.constant 1 : i32
    %add3A_66 = arith.addi %mul3A_64, %add3A_65 : i32
    %mul3A_67 = arith.constant 128 : i32
    %mul3A_68 = arith.muli %add3A_66, %mul3A_67 : i32
    %dma_start3A_69 = arith.constant 0 : i32
    %dma_start3A_70 = tpu.memref_slice %arg18[%mul3A_68, %dma_start3A_69] : memref<6656x16xf32, #tpu.memory_space<vmem>> -> memref<128x16xf32, #tpu.memory_space<vmem>>
    %dma_start3A_71 = arith.constant 0 : i32
    %dma_start3A_72 = tpu.memref_slice %arg17[%add3A_62, %dma_start3A_71] : memref<52x128xi32, #tpu.memory_space<vmem>> -> memref<1x128xi32, #tpu.memory_space<vmem>>
    %dma_start3A_73 = tpu.memref_squeeze %dma_start3A_72 : memref<1x128xi32, #tpu.memory_space<vmem>> -> memref<128xi32, #tpu.memory_space<vmem>>
    %dma_start3A_74 = arith.constant 0 : i32
    %dma_start3A_75 = arith.constant 0 : i32
    %dma_start3A_76 = tpu.memref_slice %arg11[%dma_start3A_74, %dma_start3A_75] : memref<100x16xf32, #tpu.memory_space<hbm>> -> memref<100x16xf32, #tpu.memory_space<hbm>>
    tpu.enqueue_indirect_dma source(%dma_start3A_76 : memref<100x16xf32, #tpu.memory_space<hbm>>) target(%dma_start3A_70 : memref<128x16xf32, #tpu.memory_space<vmem>>) offsets(%dma_start3A_73 : memref<128xi32, #tpu.memory_space<vmem>>) semaphore(%arg19 : memref<!tpu.dma_semaphore, #tpu.memory_space<semaphore_mem>>)
    %mul3A_77 = arith.constant 4 : i32
    %mul3A_78 = arith.muli %scan3A_41, %mul3A_77 : i32
    %add3A_79 = arith.constant 2 : i32
    %add3A_80 = arith.addi %mul3A_78, %add3A_79 : i32
    %mul3A_81 = arith.constant 4 : i32
    %mul3A_82 = arith.muli %scan3A_41, %mul3A_81 : i32
    %add3A_83 = arith.constant 2 : i32
    %add3A_84 = arith.addi %mul3A_82, %add3A_83 : i32
    %mul3A_85 = arith.constant 128 : i32
    %mul3A_86 = arith.muli %add3A_84, %mul3A_85 : i32
    %dma_start3A_87 = arith.constant 0 : i32
    %dma_start3A_88 = tpu.memref_slice %arg18[%mul3A_86, %dma_start3A_87] : memref<6656x16xf32, #tpu.memory_space<vmem>> -> memref<128x16xf32, #tpu.memory_space<vmem>>
    %dma_start3A_89 = arith.constant 0 : i32
    %dma_start3A_90 = tpu.memref_slice %arg17[%add3A_80, %dma_start3A_89] : memref<52x128xi32, #tpu.memory_space<vmem>> -> memref<1x128xi32, #tpu.memory_space<vmem>>
    %dma_start3A_91 = tpu.memref_squeeze %dma_start3A_90 : memref<1x128xi32, #tpu.memory_space<vmem>> -> memref<128xi32, #tpu.memory_space<vmem>>
    %dma_start3A_92 = arith.constant 0 : i32
    %dma_start3A_93 = arith.constant 0 : i32
    %dma_start3A_94 = tpu.memref_slice %arg11[%dma_start3A_92, %dma_start3A_93] : memref<100x16xf32, #tpu.memory_space<hbm>> -> memref<100x16xf32, #tpu.memory_space<hbm>>
    tpu.enqueue_indirect_dma source(%dma_start3A_94 : memref<100x16xf32, #tpu.memory_space<hbm>>) target(%dma_start3A_88 : memref<128x16xf32, #tpu.memory_space<vmem>>) offsets(%dma_start3A_91 : memref<128xi32, #tpu.memory_space<vmem>>) semaphore(%arg19 : memref<!tpu.dma_semaphore, #tpu.memory_space<semaphore_mem>>)
    %mul3A_95 = arith.constant 4 : i32
    %mul3A_96 = arith.muli %scan3A_41, %mul3A_95 : i32
    %add3A_97 = arith.constant 3 : i32
    %add3A_98 = arith.addi %mul3A_96, %add3A_97 : i32
    %mul3A_99 = arith.constant 4 : i32
    %mul3A_100 = arith.muli %scan3A_41, %mul3A_99 : i32
    %add3A_101 = arith.constant 3 : i32
    %add3A_102 = arith.addi %mul3A_100, %add3A_101 : i32
    %mul3A_103 = arith.constant 128 : i32
    %mul3A_104 = arith.muli %add3A_102, %mul3A_103 : i32
    %dma_start3A_105 = arith.constant 0 : i32
    %dma_start3A_106 = tpu.memref_slice %arg18[%mul3A_104, %dma_start3A_105] : memref<6656x16xf32, #tpu.memory_space<vmem>> -> memref<128x16xf32, #tpu.memory_space<vmem>>
    %dma_start3A_107 = arith.constant 0 : i32
    %dma_start3A_108 = tpu.memref_slice %arg17[%add3A_98, %dma_start3A_107] : memref<52x128xi32, #tpu.memory_space<vmem>> -> memref<1x128xi32, #tpu.memory_space<vmem>>
    %dma_start3A_109 = tpu.memref_squeeze %dma_start3A_108 : memref<1x128xi32, #tpu.memory_space<vmem>> -> memref<128xi32, #tpu.memory_space<vmem>>
    %dma_start3A_110 = arith.constant 0 : i32
    %dma_start3A_111 = arith.constant 0 : i32
    %dma_start3A_112 = tpu.memref_slice %arg11[%dma_start3A_110, %dma_start3A_111] : memref<100x16xf32, #tpu.memory_space<hbm>> -> memref<100x16xf32, #tpu.memory_space<hbm>>
    tpu.enqueue_indirect_dma source(%dma_start3A_112 : memref<100x16xf32, #tpu.memory_space<hbm>>) target(%dma_start3A_106 : memref<128x16xf32, #tpu.memory_space<vmem>>) offsets(%dma_start3A_109 : memref<128xi32, #tpu.memory_space<vmem>>) semaphore(%arg19 : memref<!tpu.dma_semaphore, #tpu.memory_space<semaphore_mem>>)
    %dma_wait3A = arith.constant 0 : i32
    %dma_wait3A_113 = tpu.memref_slice %arg18[%mul3A_51, %dma_wait3A] : memref<6656x16xf32, #tpu.memory_space<vmem>> -> memref<128x16xf32, #tpu.memory_space<vmem>>
    %dma_wait3A_114 = arith.constant 0 : i32
    %dma_wait3A_115 = tpu.memref_slice %arg17[%add3A_45, %dma_wait3A_114] : memref<52x128xi32, #tpu.memory_space<vmem>> -> memref<1x128xi32, #tpu.memory_space<vmem>>
    %dma_wait3A_116 = tpu.memref_squeeze %dma_wait3A_115 : memref<1x128xi32, #tpu.memory_space<vmem>> -> memref<128xi32, #tpu.memory_space<vmem>>
    %dma_wait3A_117 = arith.constant 0 : i32
    %dma_wait3A_118 = arith.constant 0 : i32
    %dma_wait3A_119 = tpu.memref_slice %arg11[%dma_wait3A_117, %dma_wait3A_118] : memref<100x16xf32, #tpu.memory_space<hbm>> -> memref<100x16xf32, #tpu.memory_space<hbm>>
    tpu.wait_indirect_dma semaphore(%arg19 : memref<!tpu.dma_semaphore, #tpu.memory_space<semaphore_mem>>) src(%dma_wait3A_119 : memref<100x16xf32, #tpu.memory_space<hbm>>) dst(%dma_wait3A_113 : memref<128x16xf32, #tpu.memory_space<vmem>>)
    %dma_wait3A_120 = arith.constant 0 : i32
    %dma_wait3A_121 = tpu.memref_slice %arg18[%mul3A_68, %dma_wait3A_120] : memref<6656x16xf32, #tpu.memory_space<vmem>> -> memref<128x16xf32, #tpu.memory_space<vmem>>
    %dma_wait3A_122 = arith.constant 0 : i32
    %dma_wait3A_123 = tpu.memref_slice %arg17[%add3A_62, %dma_wait3A_122] : memref<52x128xi32, #tpu.memory_space<vmem>> -> memref<1x128xi32, #tpu.memory_space<vmem>>
    %dma_wait3A_124 = tpu.memref_squeeze %dma_wait3A_123 : memref<1x128xi32, #tpu.memory_space<vmem>> -> memref<128xi32, #tpu.memory_space<vmem>>
    %dma_wait3A_125 = arith.constant 0 : i32
    %dma_wait3A_126 = arith.constant 0 : i32
    %dma_wait3A_127 = tpu.memref_slice %arg11[%dma_wait3A_125, %dma_wait3A_126] : memref<100x16xf32, #tpu.memory_space<hbm>> -> memref<100x16xf32, #tpu.memory_space<hbm>>
    tpu.wait_indirect_dma semaphore(%arg19 : memref<!tpu.dma_semaphore, #tpu.memory_space<semaphore_mem>>) src(%dma_wait3A_127 : memref<100x16xf32, #tpu.memory_space<hbm>>) dst(%dma_wait3A_121 : memref<128x16xf32, #tpu.memory_space<vmem>>)
    %dma_wait3A_128 = arith.constant 0 : i32
    %dma_wait3A_129 = tpu.memref_slice %arg18[%mul3A_86, %dma_wait3A_128] : memref<6656x16xf32, #tpu.memory_space<vmem>> -> memref<128x16xf32, #tpu.memory_space<vmem>>
    %dma_wait3A_130 = arith.constant 0 : i32
    %dma_wait3A_131 = tpu.memref_slice %arg17[%add3A_80, %dma_wait3A_130] : memref<52x128xi32, #tpu.memory_space<vmem>> -> memref<1x128xi32, #tpu.memory_space<vmem>>
    %dma_wait3A_132 = tpu.memref_squeeze %dma_wait3A_131 : memref<1x128xi32, #tpu.memory_space<vmem>> -> memref<128xi32, #tpu.memory_space<vmem>>
    %dma_wait3A_133 = arith.constant 0 : i32
    %dma_wait3A_134 = arith.constant 0 : i32
    %dma_wait3A_135 = tpu.memref_slice %arg11[%dma_wait3A_133, %dma_wait3A_134] : memref<100x16xf32, #tpu.memory_space<hbm>> -> memref<100x16xf32, #tpu.memory_space<hbm>>
    tpu.wait_indirect_dma semaphore(%arg19 : memref<!tpu.dma_semaphore, #tpu.memory_space<semaphore_mem>>) src(%dma_wait3A_135 : memref<100x16xf32, #tpu.memory_space<hbm>>) dst(%dma_wait3A_129 : memref<128x16xf32, #tpu.memory_space<vmem>>)
    %dma_wait3A_136 = arith.constant 0 : i32
    %dma_wait3A_137 = tpu.memref_slice %arg18[%mul3A_104, %dma_wait3A_136] : memref<6656x16xf32, #tpu.memory_space<vmem>> -> memref<128x16xf32, #tpu.memory_space<vmem>>
    %dma_wait3A_138 = arith.constant 0 : i32
    %dma_wait3A_139 = tpu.memref_slice %arg17[%add3A_98, %dma_wait3A_138] : memref<52x128xi32, #tpu.memory_space<vmem>> -> memref<1x128xi32, #tpu.memory_space<vmem>>
    %dma_wait3A_140 = tpu.memref_squeeze %dma_wait3A_139 : memref<1x128xi32, #tpu.memory_space<vmem>> -> memref<128xi32, #tpu.memory_space<vmem>>
    %dma_wait3A_141 = arith.constant 0 : i32
    %dma_wait3A_142 = arith.constant 0 : i32
    %dma_wait3A_143 = tpu.memref_slice %arg11[%dma_wait3A_141, %dma_wait3A_142] : memref<100x16xf32, #tpu.memory_space<hbm>> -> memref<100x16xf32, #tpu.memory_space<hbm>>
    tpu.wait_indirect_dma semaphore(%arg19 : memref<!tpu.dma_semaphore, #tpu.memory_space<semaphore_mem>>) src(%dma_wait3A_143 : memref<100x16xf32, #tpu.memory_space<hbm>>) dst(%dma_wait3A_137 : memref<128x16xf32, #tpu.memory_space<vmem>>)
    %scan3A_144 = arith.constant 1 : i32
    %mul3A_145 = arith.constant 1 : i32
    %mul3A_146 = arith.muli %add3A, %mul3A_145 : i32
    %mul3A_147 = arith.constant 512 : i32
    %mul3A_148 = arith.muli %mul3A_146, %mul3A_147 : i32
    "tpu.region"() ({
      %run_scoped3A = tpu.sem_alloc : memref<!tpu.dma_semaphore, #tpu.memory_space<semaphore_mem>>
      %dma_start3A_149 = arith.constant 0 : i32
      %dma_start3A_150 = arith.constant 0 : i32
      %dma_start3A_151 = tpu.memref_slice %arg18[%dma_start3A_149, %dma_start3A_150] : memref<6656x16xf32, #tpu.memory_space<vmem>> -> memref<512x16xf32, #tpu.memory_space<vmem>>
      %dma_start3A_152 = arith.constant 0 : i32
      %dma_start3A_153 = tpu.memref_slice %arg16[%mul3A_148, %dma_start3A_152] : memref<16384x16xf32, #tpu.memory_space<hbm>> -> memref<512x16xf32, #tpu.memory_space<hbm>>
      %dma_start3A_154 = arith.constant 0 : i32
      %dma_start3A_155 = tpu.memref_slice %arg16[%mul3A_148, %dma_start3A_154] : memref<16384x16xf32, #tpu.memory_space<hbm>> -> memref<512x16xf32, #tpu.memory_space<hbm>>
      %dma_start3A_156 = arith.constant 0 : i32
      %dma_start3A_157 = arith.constant 0 : i32
      %dma_start3A_158 = tpu.memref_slice %arg18[%dma_start3A_156, %dma_start3A_157] : memref<6656x16xf32, #tpu.memory_space<vmem>> -> memref<512x16xf32, #tpu.memory_space<vmem>>
      tpu.enqueue_dma source(%dma_start3A_158 : memref<512x16xf32, #tpu.memory_space<vmem>>) target(%dma_start3A_155 : memref<512x16xf32, #tpu.memory_space<hbm>>) target_semaphore(%run_scoped3A : memref<!tpu.dma_semaphore, #tpu.memory_space<semaphore_mem>>)
      %dma_wait3A_159 = arith.constant 0 : i32
      %dma_wait3A_160 = arith.constant 0 : i32
      %dma_wait3A_161 = tpu.memref_slice %arg18[%dma_wait3A_159, %dma_wait3A_160] : memref<6656x16xf32, #tpu.memory_space<vmem>> -> memref<512x16xf32, #tpu.memory_space<vmem>>
      %dma_wait3A_162 = arith.constant 0 : i32
      %dma_wait3A_163 = tpu.memref_slice %arg16[%mul3A_148, %dma_wait3A_162] : memref<16384x16xf32, #tpu.memory_space<hbm>> -> memref<512x16xf32, #tpu.memory_space<hbm>>
      %dma_wait3A_164 = arith.constant 0 : i32
      %dma_wait3A_165 = tpu.memref_slice %arg16[%mul3A_148, %dma_wait3A_164] : memref<16384x16xf32, #tpu.memory_space<hbm>> -> memref<512x16xf32, #tpu.memory_space<hbm>>
      %dma_wait3A_166 = arith.constant 0 : i32
      %dma_wait3A_167 = arith.constant 0 : i32
      %dma_wait3A_168 = tpu.memref_slice %arg18[%dma_wait3A_166, %dma_wait3A_167] : memref<6656x16xf32, #tpu.memory_space<vmem>> -> memref<512x16xf32, #tpu.memory_space<vmem>>
      tpu.wait_dma2 semaphore(%run_scoped3A : memref<!tpu.dma_semaphore, #tpu.memory_space<semaphore_mem>>) src(%dma_wait3A_168 : memref<512x16xf32, #tpu.memory_space<vmem>>) dst(%dma_wait3A_165 : memref<512x16xf32, #tpu.memory_space<hbm>>)
      tpu.yield
    }) : () -> ()
    return
  }
}

module attributes {stable_mosaic.version = 14 : i64} {
  func.func @_tc_body(%arg0: i32, %arg1: memref<512x208xf32, #tpu.memory_space<vmem>>, %arg2: memref<512x80xf32, #tpu.memory_space<vmem>>, %arg3: memref<512x80xf32, #tpu.memory_space<vmem>>, %arg4: memref<512x80xf32, #tpu.memory_space<vmem>>, %arg5: memref<512x16xf32, #tpu.memory_space<vmem>>, %arg6: memref<512x13xi32, #tpu.memory_space<vmem>>, %arg7: memref<512x29xf32, #tpu.memory_space<vmem>>, %arg8: memref<14xf32, #tpu.memory_space<smem>>, %arg9: memref<208x464xf32, #tpu.memory_space<vmem>>, %arg10: memref<80x464xf32, #tpu.memory_space<vmem>>, %arg11: memref<80x464xf32, #tpu.memory_space<vmem>>, %arg12: memref<80x464xf32, #tpu.memory_space<vmem>>, %arg13: memref<16x464xf32, #tpu.memory_space<vmem>>, %arg14: memref<1x464xf32, #tpu.memory_space<vmem>>, %arg15: memref<464x464xf32, #tpu.memory_space<vmem>>, %arg16: memref<1x464xf32, #tpu.memory_space<vmem>>, %arg17: memref<464x464xf32, #tpu.memory_space<vmem>>, %arg18: memref<1x464xf32, #tpu.memory_space<vmem>>, %arg19: memref<464x16xf32, #tpu.memory_space<vmem>>, %arg20: memref<1x16xf32, #tpu.memory_space<vmem>>, %arg21: memref<13x208xf32, #tpu.memory_space<vmem>>, %arg22: memref<5x80xf32, #tpu.memory_space<vmem>>, %arg23: memref<208x16xf32, #tpu.memory_space<vmem>>, %arg24: memref<80x16xf32, #tpu.memory_space<vmem>>, %arg25: memref<1xf32, #tpu.memory_space<smem>>, %arg26: memref<1x16xf32, #tpu.memory_space<vmem>>, %arg27: memref<1x16xf32, #tpu.memory_space<vmem>>, %arg28: memref<1xf32, #tpu.memory_space<smem>>, %arg29: memref<512x1xf32, #tpu.memory_space<vmem>>) attributes {dimension_semantics = [#tpu.dimension_semantics<arbitrary>], iteration_bounds = array<i64: 32>, scalar_prefetch = 0 : i64, scratch_operands = 0 : i64, tpu.core_type = #tpu.core_type<tc>, window_params = [{transform_indices = @transform_0, window_bounds = array<i64: 512, 208>}, {transform_indices = @transform_1, window_bounds = array<i64: 512, 80>}, {transform_indices = @transform_2, window_bounds = array<i64: 512, 80>}, {transform_indices = @transform_3, window_bounds = array<i64: 512, 80>}, {transform_indices = @transform_4, window_bounds = array<i64: 512, 16>}, {transform_indices = @transform_5, window_bounds = array<i64: 512, 13>}, {transform_indices = @transform_6, window_bounds = array<i64: 512, 29>}, {transform_indices = @transform_7, window_bounds = array<i64: 14>}, {pipeline_mode = #tpu.pipeline_mode<synchronous>, transform_indices = @transform_8, window_bounds = array<i64: 208, 464>}, {pipeline_mode = #tpu.pipeline_mode<synchronous>, transform_indices = @transform_9, window_bounds = array<i64: 80, 464>}, {pipeline_mode = #tpu.pipeline_mode<synchronous>, transform_indices = @transform_10, window_bounds = array<i64: 80, 464>}, {pipeline_mode = #tpu.pipeline_mode<synchronous>, transform_indices = @transform_11, window_bounds = array<i64: 80, 464>}, {pipeline_mode = #tpu.pipeline_mode<synchronous>, transform_indices = @transform_12, window_bounds = array<i64: 16, 464>}, {pipeline_mode = #tpu.pipeline_mode<synchronous>, transform_indices = @transform_13, window_bounds = array<i64: 1, 464>}, {pipeline_mode = #tpu.pipeline_mode<synchronous>, transform_indices = @transform_14, window_bounds = array<i64: 464, 464>}, {pipeline_mode = #tpu.pipeline_mode<synchronous>, transform_indices = @transform_15, window_bounds = array<i64: 1, 464>}, {pipeline_mode = #tpu.pipeline_mode<synchronous>, transform_indices = @transform_16, window_bounds = array<i64: 464, 464>}, {pipeline_mode = #tpu.pipeline_mode<synchronous>, transform_indices = @transform_17, window_bounds = array<i64: 1, 464>}, {pipeline_mode = #tpu.pipeline_mode<synchronous>, transform_indices = @transform_18, window_bounds = array<i64: 464, 16>}, {pipeline_mode = #tpu.pipeline_mode<synchronous>, transform_indices = @transform_19, window_bounds = array<i64: 1, 16>}, {pipeline_mode = #tpu.pipeline_mode<synchronous>, transform_indices = @transform_20, window_bounds = array<i64: 13, 208>}, {pipeline_mode = #tpu.pipeline_mode<synchronous>, transform_indices = @transform_21, window_bounds = array<i64: 5, 80>}, {pipeline_mode = #tpu.pipeline_mode<synchronous>, transform_indices = @transform_22, window_bounds = array<i64: 208, 16>}, {pipeline_mode = #tpu.pipeline_mode<synchronous>, transform_indices = @transform_23, window_bounds = array<i64: 80, 16>}, {transform_indices = @transform_24, window_bounds = array<i64: 1>}, {pipeline_mode = #tpu.pipeline_mode<synchronous>, transform_indices = @transform_25, window_bounds = array<i64: 1, 16>}, {pipeline_mode = #tpu.pipeline_mode<synchronous>, transform_indices = @transform_26, window_bounds = array<i64: 1, 16>}, {transform_indices = @transform_27, window_bounds = array<i64: 1>}, {transform_indices = @transform_28, window_bounds = array<i64: 512, 1>}]} {
    %get3A = arith.constant 0 : index
    %get3A_0 = arith.constant 0 : index
    %get3A_1 = vector.load %arg7[%get3A, %get3A_0] : memref<512x29xf32, #tpu.memory_space<vmem>>, vector<512x29xf32>
    %slice3A = vector.extract_strided_slice %get3A_1 {offsets = [0, 0], sizes = [512, 13], strides = [1, 1]} : vector<512x29xf32> to vector<512x13xf32>
    %get3A_2 = arith.constant 0 : index
    %get3A_3 = arith.constant 0 : index
    %get3A_4 = vector.load %arg1[%get3A_2, %get3A_3] : memref<512x208xf32, #tpu.memory_space<vmem>>, vector<512x208xf32>
    %get3A_5 = arith.constant 0 : index
    %get3A_6 = arith.constant 0 : index
    %get3A_7 = vector.load %arg21[%get3A_5, %get3A_6] : memref<13x208xf32, #tpu.memory_space<vmem>>, vector<13x208xf32>
    %dot_general3A = arith.constant dense<0.000000e+00> : vector<512x208xf32>
    %dot_general3A_8 = tpu.matmul %slice3A, %get3A_7, %dot_general3A {dimension_numbers = #tpu.dot_dimension_numbers<[1], [0], [0], [1], [0, 0, 1, 1], [], []>, transpose_lhs_hint = false} : vector<512x13xf32>, vector<13x208xf32>, vector<512x208xf32> -> vector<512x208xf32>
    %mul3A = arith.mulf %get3A_4, %dot_general3A_8 : vector<512x208xf32>
    %get3A_9 = arith.constant 0 : index
    %get3A_10 = arith.constant 0 : index
    %get3A_11 = vector.load %arg2[%get3A_9, %get3A_10] : memref<512x80xf32, #tpu.memory_space<vmem>>, vector<512x80xf32>
    %slice3A_12 = vector.extract_strided_slice %get3A_1 {offsets = [0, 13], sizes = [512, 5], strides = [1, 1]} : vector<512x29xf32> to vector<512x5xf32>
    %get3A_13 = arith.constant 0 : index
    %get3A_14 = arith.constant 0 : index
    %get3A_15 = vector.load %arg22[%get3A_13, %get3A_14] : memref<5x80xf32, #tpu.memory_space<vmem>>, vector<5x80xf32>
    %dot_general3A_16 = arith.constant dense<0.000000e+00> : vector<512x80xf32>
    %dot_general3A_17 = tpu.matmul %slice3A_12, %get3A_15, %dot_general3A_16 {dimension_numbers = #tpu.dot_dimension_numbers<[1], [0], [0], [1], [0, 0, 1, 1], [], []>, transpose_lhs_hint = false} : vector<512x5xf32>, vector<5x80xf32>, vector<512x80xf32> -> vector<512x80xf32>
    %mul3A_18 = arith.mulf %get3A_11, %dot_general3A_17 : vector<512x80xf32>
    %get3A_19 = arith.constant 0 : index
    %get3A_20 = arith.constant 0 : index
    %get3A_21 = vector.load %arg3[%get3A_19, %get3A_20] : memref<512x80xf32, #tpu.memory_space<vmem>>, vector<512x80xf32>
    %slice3A_22 = vector.extract_strided_slice %get3A_1 {offsets = [0, 18], sizes = [512, 5], strides = [1, 1]} : vector<512x29xf32> to vector<512x5xf32>
    %get3A_23 = arith.constant 0 : index
    %get3A_24 = arith.constant 0 : index
    %get3A_25 = vector.load %arg22[%get3A_23, %get3A_24] : memref<5x80xf32, #tpu.memory_space<vmem>>, vector<5x80xf32>
    %dot_general3A_26 = arith.constant dense<0.000000e+00> : vector<512x80xf32>
    %dot_general3A_27 = tpu.matmul %slice3A_22, %get3A_25, %dot_general3A_26 {dimension_numbers = #tpu.dot_dimension_numbers<[1], [0], [0], [1], [0, 0, 1, 1], [], []>, transpose_lhs_hint = false} : vector<512x5xf32>, vector<5x80xf32>, vector<512x80xf32> -> vector<512x80xf32>
    %mul3A_28 = arith.mulf %get3A_21, %dot_general3A_27 : vector<512x80xf32>
    %get3A_29 = arith.constant 0 : index
    %get3A_30 = arith.constant 0 : index
    %get3A_31 = vector.load %arg4[%get3A_29, %get3A_30] : memref<512x80xf32, #tpu.memory_space<vmem>>, vector<512x80xf32>
    %slice3A_32 = vector.extract_strided_slice %get3A_1 {offsets = [0, 23], sizes = [512, 5], strides = [1, 1]} : vector<512x29xf32> to vector<512x5xf32>
    %get3A_33 = arith.constant 0 : index
    %get3A_34 = arith.constant 0 : index
    %get3A_35 = vector.load %arg22[%get3A_33, %get3A_34] : memref<5x80xf32, #tpu.memory_space<vmem>>, vector<5x80xf32>
    %dot_general3A_36 = arith.constant dense<0.000000e+00> : vector<512x80xf32>
    %dot_general3A_37 = tpu.matmul %slice3A_32, %get3A_35, %dot_general3A_36 {dimension_numbers = #tpu.dot_dimension_numbers<[1], [0], [0], [1], [0, 0, 1, 1], [], []>, transpose_lhs_hint = false} : vector<512x5xf32>, vector<5x80xf32>, vector<512x80xf32> -> vector<512x80xf32>
    %mul3A_38 = arith.mulf %get3A_31, %dot_general3A_37 : vector<512x80xf32>
    %get3A_39 = arith.constant 0 : index
    %get3A_40 = arith.constant 0 : index
    %get3A_41 = vector.load %arg5[%get3A_39, %get3A_40] : memref<512x16xf32, #tpu.memory_space<vmem>>, vector<512x16xf32>
    %slice3A_42 = vector.extract_strided_slice %get3A_1 {offsets = [0, 28], sizes = [512, 1], strides = [1, 1]} : vector<512x29xf32> to vector<512x1xf32>
    %mul3A_43 = vector.broadcast %slice3A_42 : vector<512x1xf32> to vector<512x16xf32>
    %mul3A_44 = arith.mulf %get3A_41, %mul3A_43 : vector<512x16xf32>
    %get3A_45 = arith.constant 0 : index
    %get3A_46 = arith.constant 0 : index
    %get3A_47 = vector.load %arg23[%get3A_45, %get3A_46] : memref<208x16xf32, #tpu.memory_space<vmem>>, vector<208x16xf32>
    %dot_general3A_48 = arith.constant dense<0.000000e+00> : vector<512x16xf32>
    %dot_general3A_49 = tpu.matmul %mul3A, %get3A_47, %dot_general3A_48 {dimension_numbers = #tpu.dot_dimension_numbers<[1], [0], [0], [1], [0, 0, 1, 1], [], []>, transpose_lhs_hint = false} : vector<512x208xf32>, vector<208x16xf32>, vector<512x16xf32> -> vector<512x16xf32>
    %get3A_50 = arith.constant 0 : index
    %get3A_51 = arith.constant 0 : index
    %get3A_52 = vector.load %arg24[%get3A_50, %get3A_51] : memref<80x16xf32, #tpu.memory_space<vmem>>, vector<80x16xf32>
    %dot_general3A_53 = arith.constant dense<0.000000e+00> : vector<512x16xf32>
    %dot_general3A_54 = tpu.matmul %mul3A_18, %get3A_52, %dot_general3A_53 {dimension_numbers = #tpu.dot_dimension_numbers<[1], [0], [0], [1], [0, 0, 1, 1], [], []>, transpose_lhs_hint = false} : vector<512x80xf32>, vector<80x16xf32>, vector<512x16xf32> -> vector<512x16xf32>
    %add3A = arith.addf %dot_general3A_49, %dot_general3A_54 : vector<512x16xf32>
    %get3A_55 = arith.constant 0 : index
    %get3A_56 = arith.constant 0 : index
    %get3A_57 = vector.load %arg24[%get3A_55, %get3A_56] : memref<80x16xf32, #tpu.memory_space<vmem>>, vector<80x16xf32>
    %dot_general3A_58 = arith.constant dense<0.000000e+00> : vector<512x16xf32>
    %dot_general3A_59 = tpu.matmul %mul3A_28, %get3A_57, %dot_general3A_58 {dimension_numbers = #tpu.dot_dimension_numbers<[1], [0], [0], [1], [0, 0, 1, 1], [], []>, transpose_lhs_hint = false} : vector<512x80xf32>, vector<80x16xf32>, vector<512x16xf32> -> vector<512x16xf32>
    %add3A_60 = arith.addf %add3A, %dot_general3A_59 : vector<512x16xf32>
    %get3A_61 = arith.constant 0 : index
    %get3A_62 = arith.constant 0 : index
    %get3A_63 = vector.load %arg24[%get3A_61, %get3A_62] : memref<80x16xf32, #tpu.memory_space<vmem>>, vector<80x16xf32>
    %dot_general3A_64 = arith.constant dense<0.000000e+00> : vector<512x16xf32>
    %dot_general3A_65 = tpu.matmul %mul3A_38, %get3A_63, %dot_general3A_64 {dimension_numbers = #tpu.dot_dimension_numbers<[1], [0], [0], [1], [0, 0, 1, 1], [], []>, transpose_lhs_hint = false} : vector<512x80xf32>, vector<80x16xf32>, vector<512x16xf32> -> vector<512x16xf32>
    %add3A_66 = arith.addf %add3A_60, %dot_general3A_65 : vector<512x16xf32>
    %add3A_67 = arith.addf %add3A_66, %mul3A_44 : vector<512x16xf32>
    %mul3A_68 = arith.mulf %mul3A, %mul3A : vector<512x208xf32>
    %get3A_69 = arith.constant 0 : index
    %get3A_70 = arith.constant 0 : index
    %get3A_71 = vector.load %arg23[%get3A_69, %get3A_70] : memref<208x16xf32, #tpu.memory_space<vmem>>, vector<208x16xf32>
    %dot_general3A_72 = arith.constant dense<0.000000e+00> : vector<512x16xf32>
    %dot_general3A_73 = tpu.matmul %mul3A_68, %get3A_71, %dot_general3A_72 {dimension_numbers = #tpu.dot_dimension_numbers<[1], [0], [0], [1], [0, 0, 1, 1], [], []>, transpose_lhs_hint = false} : vector<512x208xf32>, vector<208x16xf32>, vector<512x16xf32> -> vector<512x16xf32>
    %mul3A_74 = arith.mulf %mul3A_18, %mul3A_18 : vector<512x80xf32>
    %get3A_75 = arith.constant 0 : index
    %get3A_76 = arith.constant 0 : index
    %get3A_77 = vector.load %arg24[%get3A_75, %get3A_76] : memref<80x16xf32, #tpu.memory_space<vmem>>, vector<80x16xf32>
    %dot_general3A_78 = arith.constant dense<0.000000e+00> : vector<512x16xf32>
    %dot_general3A_79 = tpu.matmul %mul3A_74, %get3A_77, %dot_general3A_78 {dimension_numbers = #tpu.dot_dimension_numbers<[1], [0], [0], [1], [0, 0, 1, 1], [], []>, transpose_lhs_hint = false} : vector<512x80xf32>, vector<80x16xf32>, vector<512x16xf32> -> vector<512x16xf32>
    %add3A_80 = arith.addf %dot_general3A_73, %dot_general3A_79 : vector<512x16xf32>
    %mul3A_81 = arith.mulf %mul3A_28, %mul3A_28 : vector<512x80xf32>
    %get3A_82 = arith.constant 0 : index
    %get3A_83 = arith.constant 0 : index
    %get3A_84 = vector.load %arg24[%get3A_82, %get3A_83] : memref<80x16xf32, #tpu.memory_space<vmem>>, vector<80x16xf32>
    %dot_general3A_85 = arith.constant dense<0.000000e+00> : vector<512x16xf32>
    %dot_general3A_86 = tpu.matmul %mul3A_81, %get3A_84, %dot_general3A_85 {dimension_numbers = #tpu.dot_dimension_numbers<[1], [0], [0], [1], [0, 0, 1, 1], [], []>, transpose_lhs_hint = false} : vector<512x80xf32>, vector<80x16xf32>, vector<512x16xf32> -> vector<512x16xf32>
    %add3A_87 = arith.addf %add3A_80, %dot_general3A_86 : vector<512x16xf32>
    %mul3A_88 = arith.mulf %mul3A_38, %mul3A_38 : vector<512x80xf32>
    %get3A_89 = arith.constant 0 : index
    %get3A_90 = arith.constant 0 : index
    %get3A_91 = vector.load %arg24[%get3A_89, %get3A_90] : memref<80x16xf32, #tpu.memory_space<vmem>>, vector<80x16xf32>
    %dot_general3A_92 = arith.constant dense<0.000000e+00> : vector<512x16xf32>
    %dot_general3A_93 = tpu.matmul %mul3A_88, %get3A_91, %dot_general3A_92 {dimension_numbers = #tpu.dot_dimension_numbers<[1], [0], [0], [1], [0, 0, 1, 1], [], []>, transpose_lhs_hint = false} : vector<512x80xf32>, vector<80x16xf32>, vector<512x16xf32> -> vector<512x16xf32>
    %add3A_94 = arith.addf %add3A_87, %dot_general3A_93 : vector<512x16xf32>
    %mul3A_95 = arith.mulf %mul3A_44, %mul3A_44 : vector<512x16xf32>
    %add3A_96 = arith.addf %add3A_94, %mul3A_95 : vector<512x16xf32>
    %mul3A_97 = arith.mulf %add3A_67, %add3A_67 : vector<512x16xf32>
    %sub3A = arith.subf %mul3A_97, %add3A_96 : vector<512x16xf32>
    %mul3A_98 = arith.constant 5.000000e-01 : f32
    %mul3A_99 = vector.broadcast %mul3A_98 : f32 to vector<512x16xf32>
    %mul3A_100 = arith.mulf %mul3A_99, %sub3A : vector<512x16xf32>
    %get3A_101 = arith.constant 0 : index
    %get3A_102 = arith.constant 0 : index
    %get3A_103 = vector.load %arg9[%get3A_101, %get3A_102] : memref<208x464xf32, #tpu.memory_space<vmem>>, vector<208x464xf32>
    %dot_general3A_104 = arith.constant dense<0.000000e+00> : vector<512x464xf32>
    %dot_general3A_105 = tpu.matmul %mul3A, %get3A_103, %dot_general3A_104 {dimension_numbers = #tpu.dot_dimension_numbers<[1], [0], [0], [1], [0, 0, 1, 1], [], []>, transpose_lhs_hint = false} : vector<512x208xf32>, vector<208x464xf32>, vector<512x464xf32> -> vector<512x464xf32>
    %get3A_106 = arith.constant 0 : index
    %get3A_107 = arith.constant 0 : index
    %get3A_108 = vector.load %arg10[%get3A_106, %get3A_107] : memref<80x464xf32, #tpu.memory_space<vmem>>, vector<80x464xf32>
    %dot_general3A_109 = arith.constant dense<0.000000e+00> : vector<512x464xf32>
    %dot_general3A_110 = tpu.matmul %mul3A_18, %get3A_108, %dot_general3A_109 {dimension_numbers = #tpu.dot_dimension_numbers<[1], [0], [0], [1], [0, 0, 1, 1], [], []>, transpose_lhs_hint = false} : vector<512x80xf32>, vector<80x464xf32>, vector<512x464xf32> -> vector<512x464xf32>
    %add3A_111 = arith.addf %dot_general3A_105, %dot_general3A_110 : vector<512x464xf32>
    %get3A_112 = arith.constant 0 : index
    %get3A_113 = arith.constant 0 : index
    %get3A_114 = vector.load %arg11[%get3A_112, %get3A_113] : memref<80x464xf32, #tpu.memory_space<vmem>>, vector<80x464xf32>
    %dot_general3A_115 = arith.constant dense<0.000000e+00> : vector<512x464xf32>
    %dot_general3A_116 = tpu.matmul %mul3A_28, %get3A_114, %dot_general3A_115 {dimension_numbers = #tpu.dot_dimension_numbers<[1], [0], [0], [1], [0, 0, 1, 1], [], []>, transpose_lhs_hint = false} : vector<512x80xf32>, vector<80x464xf32>, vector<512x464xf32> -> vector<512x464xf32>
    %add3A_117 = arith.addf %add3A_111, %dot_general3A_116 : vector<512x464xf32>
    %get3A_118 = arith.constant 0 : index
    %get3A_119 = arith.constant 0 : index
    %get3A_120 = vector.load %arg12[%get3A_118, %get3A_119] : memref<80x464xf32, #tpu.memory_space<vmem>>, vector<80x464xf32>
    %dot_general3A_121 = arith.constant dense<0.000000e+00> : vector<512x464xf32>
    %dot_general3A_122 = tpu.matmul %mul3A_38, %get3A_120, %dot_general3A_121 {dimension_numbers = #tpu.dot_dimension_numbers<[1], [0], [0], [1], [0, 0, 1, 1], [], []>, transpose_lhs_hint = false} : vector<512x80xf32>, vector<80x464xf32>, vector<512x464xf32> -> vector<512x464xf32>
    %add3A_123 = arith.addf %add3A_117, %dot_general3A_122 : vector<512x464xf32>
    %get3A_124 = arith.constant 0 : index
    %get3A_125 = arith.constant 0 : index
    %get3A_126 = vector.load %arg13[%get3A_124, %get3A_125] : memref<16x464xf32, #tpu.memory_space<vmem>>, vector<16x464xf32>
    %dot_general3A_127 = arith.constant dense<0.000000e+00> : vector<512x464xf32>
    %dot_general3A_128 = tpu.matmul %mul3A_44, %get3A_126, %dot_general3A_127 {dimension_numbers = #tpu.dot_dimension_numbers<[1], [0], [0], [1], [0, 0, 1, 1], [], []>, transpose_lhs_hint = false} : vector<512x16xf32>, vector<16x464xf32>, vector<512x464xf32> -> vector<512x464xf32>
    %add3A_129 = arith.addf %add3A_123, %dot_general3A_128 : vector<512x464xf32>
    %get3A_130 = arith.constant 0 : index
    %get3A_131 = arith.constant 0 : index
    %get3A_132 = vector.load %arg14[%get3A_130, %get3A_131] : memref<1x464xf32, #tpu.memory_space<vmem>>, vector<1x464xf32>
    %add3A_133 = vector.broadcast %get3A_132 : vector<1x464xf32> to vector<512x464xf32>
    %add3A_134 = arith.addf %add3A_129, %add3A_133 : vector<512x464xf32>
    %max3A = arith.constant 0.000000e+00 : f32
    %max3A_135 = vector.broadcast %max3A : f32 to vector<512x464xf32>
    %max3A_136 = arith.maximumf %add3A_134, %max3A_135 : vector<512x464xf32>
    %get3A_137 = arith.constant 0 : index
    %get3A_138 = arith.constant 0 : index
    %get3A_139 = vector.load %arg15[%get3A_137, %get3A_138] : memref<464x464xf32, #tpu.memory_space<vmem>>, vector<464x464xf32>
    %dot_general3A_140 = arith.constant dense<0.000000e+00> : vector<512x464xf32>
    %dot_general3A_141 = tpu.matmul %max3A_136, %get3A_139, %dot_general3A_140 {dimension_numbers = #tpu.dot_dimension_numbers<[1], [0], [0], [1], [0, 0, 1, 1], [], []>, transpose_lhs_hint = false} : vector<512x464xf32>, vector<464x464xf32>, vector<512x464xf32> -> vector<512x464xf32>
    %get3A_142 = arith.constant 0 : index
    %get3A_143 = arith.constant 0 : index
    %get3A_144 = vector.load %arg16[%get3A_142, %get3A_143] : memref<1x464xf32, #tpu.memory_space<vmem>>, vector<1x464xf32>
    %add3A_145 = vector.broadcast %get3A_144 : vector<1x464xf32> to vector<512x464xf32>
    %add3A_146 = arith.addf %dot_general3A_141, %add3A_145 : vector<512x464xf32>
    %max3A_147 = arith.constant 0.000000e+00 : f32
    %max3A_148 = vector.broadcast %max3A_147 : f32 to vector<512x464xf32>
    %max3A_149 = arith.maximumf %add3A_146, %max3A_148 : vector<512x464xf32>
    %get3A_150 = arith.constant 0 : index
    %get3A_151 = arith.constant 0 : index
    %get3A_152 = vector.load %arg17[%get3A_150, %get3A_151] : memref<464x464xf32, #tpu.memory_space<vmem>>, vector<464x464xf32>
    %dot_general3A_153 = arith.constant dense<0.000000e+00> : vector<512x464xf32>
    %dot_general3A_154 = tpu.matmul %max3A_149, %get3A_152, %dot_general3A_153 {dimension_numbers = #tpu.dot_dimension_numbers<[1], [0], [0], [1], [0, 0, 1, 1], [], []>, transpose_lhs_hint = false} : vector<512x464xf32>, vector<464x464xf32>, vector<512x464xf32> -> vector<512x464xf32>
    %get3A_155 = arith.constant 0 : index
    %get3A_156 = arith.constant 0 : index
    %get3A_157 = vector.load %arg18[%get3A_155, %get3A_156] : memref<1x464xf32, #tpu.memory_space<vmem>>, vector<1x464xf32>
    %add3A_158 = vector.broadcast %get3A_157 : vector<1x464xf32> to vector<512x464xf32>
    %add3A_159 = arith.addf %dot_general3A_154, %add3A_158 : vector<512x464xf32>
    %max3A_160 = arith.constant 0.000000e+00 : f32
    %max3A_161 = vector.broadcast %max3A_160 : f32 to vector<512x464xf32>
    %max3A_162 = arith.maximumf %add3A_159, %max3A_161 : vector<512x464xf32>
    %get3A_163 = arith.constant 0 : index
    %get3A_164 = arith.constant 0 : index
    %get3A_165 = vector.load %arg19[%get3A_163, %get3A_164] : memref<464x16xf32, #tpu.memory_space<vmem>>, vector<464x16xf32>
    %dot_general3A_166 = arith.constant dense<0.000000e+00> : vector<512x16xf32>
    %dot_general3A_167 = tpu.matmul %max3A_162, %get3A_165, %dot_general3A_166 {dimension_numbers = #tpu.dot_dimension_numbers<[1], [0], [0], [1], [0, 0, 1, 1], [], []>, transpose_lhs_hint = false} : vector<512x464xf32>, vector<464x16xf32>, vector<512x16xf32> -> vector<512x16xf32>
    %get3A_168 = arith.constant 0 : index
    %get3A_169 = arith.constant 0 : index
    %get3A_170 = vector.load %arg20[%get3A_168, %get3A_169] : memref<1x16xf32, #tpu.memory_space<vmem>>, vector<1x16xf32>
    %add3A_171 = vector.broadcast %get3A_170 : vector<1x16xf32> to vector<512x16xf32>
    %add3A_172 = arith.addf %dot_general3A_167, %add3A_171 : vector<512x16xf32>
    %get3A_173 = arith.constant 0 : index
    %get3A_174 = arith.constant 0 : index
    %get3A_175 = vector.load %arg6[%get3A_173, %get3A_174] : memref<512x13xi32, #tpu.memory_space<vmem>>, vector<512x13xi32>
    %broadcast_in_dim3A = arith.constant 0.000000e+00 : f32
    %broadcast_in_dim3A_176 = vector.broadcast %broadcast_in_dim3A : f32 to vector<512x13xf32>
    %eq3A = arith.constant 0 : i32
    %eq3A_177 = vector.broadcast %eq3A : i32 to vector<512x13xi32>
    %eq3A_178 = arith.cmpi eq, %get3A_175, %eq3A_177 : vector<512x13xi32>
    %get3A_179 = arith.constant 0 : index
    %get3A_180 = memref.load %arg8[%get3A_179] : memref<14xf32, #tpu.memory_space<smem>>
    %jit3A = arith.constant 0.000000e+00 : f32
    %broadcast_in_dim3A_181 = vector.broadcast %get3A_180 : f32 to vector<512x13xf32>
    %broadcast_in_dim3A_182 = vector.broadcast %jit3A : f32 to vector<512x13xf32>
    %select_n3A = arith.select %eq3A_178, %broadcast_in_dim3A_181, %broadcast_in_dim3A_182 : vector<512x13xi1>, vector<512x13xf32>
    %add3A_183 = arith.addf %broadcast_in_dim3A_176, %select_n3A : vector<512x13xf32>
    %eq3A_184 = arith.constant 1 : i32
    %eq3A_185 = vector.broadcast %eq3A_184 : i32 to vector<512x13xi32>
    %eq3A_186 = arith.cmpi eq, %get3A_175, %eq3A_185 : vector<512x13xi32>
    %get3A_187 = arith.constant 1 : index
    %get3A_188 = memref.load %arg8[%get3A_187] : memref<14xf32, #tpu.memory_space<smem>>
    %jit3A_189 = arith.constant 0.000000e+00 : f32
    %broadcast_in_dim3A_190 = vector.broadcast %get3A_188 : f32 to vector<512x13xf32>
    %broadcast_in_dim3A_191 = vector.broadcast %jit3A_189 : f32 to vector<512x13xf32>
    %select_n3A_192 = arith.select %eq3A_186, %broadcast_in_dim3A_190, %broadcast_in_dim3A_191 : vector<512x13xi1>, vector<512x13xf32>
    %add3A_193 = arith.addf %add3A_183, %select_n3A_192 : vector<512x13xf32>
    %eq3A_194 = arith.constant 2 : i32
    %eq3A_195 = vector.broadcast %eq3A_194 : i32 to vector<512x13xi32>
    %eq3A_196 = arith.cmpi eq, %get3A_175, %eq3A_195 : vector<512x13xi32>
    %get3A_197 = arith.constant 2 : index
    %get3A_198 = memref.load %arg8[%get3A_197] : memref<14xf32, #tpu.memory_space<smem>>
    %jit3A_199 = arith.constant 0.000000e+00 : f32
    %broadcast_in_dim3A_200 = vector.broadcast %get3A_198 : f32 to vector<512x13xf32>
    %broadcast_in_dim3A_201 = vector.broadcast %jit3A_199 : f32 to vector<512x13xf32>
    %select_n3A_202 = arith.select %eq3A_196, %broadcast_in_dim3A_200, %broadcast_in_dim3A_201 : vector<512x13xi1>, vector<512x13xf32>
    %add3A_203 = arith.addf %add3A_193, %select_n3A_202 : vector<512x13xf32>
    %eq3A_204 = arith.constant 3 : i32
    %eq3A_205 = vector.broadcast %eq3A_204 : i32 to vector<512x13xi32>
    %eq3A_206 = arith.cmpi eq, %get3A_175, %eq3A_205 : vector<512x13xi32>
    %get3A_207 = arith.constant 3 : index
    %get3A_208 = memref.load %arg8[%get3A_207] : memref<14xf32, #tpu.memory_space<smem>>
    %jit3A_209 = arith.constant 0.000000e+00 : f32
    %broadcast_in_dim3A_210 = vector.broadcast %get3A_208 : f32 to vector<512x13xf32>
    %broadcast_in_dim3A_211 = vector.broadcast %jit3A_209 : f32 to vector<512x13xf32>
    %select_n3A_212 = arith.select %eq3A_206, %broadcast_in_dim3A_210, %broadcast_in_dim3A_211 : vector<512x13xi1>, vector<512x13xf32>
    %add3A_213 = arith.addf %add3A_203, %select_n3A_212 : vector<512x13xf32>
    %eq3A_214 = arith.constant 4 : i32
    %eq3A_215 = vector.broadcast %eq3A_214 : i32 to vector<512x13xi32>
    %eq3A_216 = arith.cmpi eq, %get3A_175, %eq3A_215 : vector<512x13xi32>
    %get3A_217 = arith.constant 4 : index
    %get3A_218 = memref.load %arg8[%get3A_217] : memref<14xf32, #tpu.memory_space<smem>>
    %jit3A_219 = arith.constant 0.000000e+00 : f32
    %broadcast_in_dim3A_220 = vector.broadcast %get3A_218 : f32 to vector<512x13xf32>
    %broadcast_in_dim3A_221 = vector.broadcast %jit3A_219 : f32 to vector<512x13xf32>
    %select_n3A_222 = arith.select %eq3A_216, %broadcast_in_dim3A_220, %broadcast_in_dim3A_221 : vector<512x13xi1>, vector<512x13xf32>
    %add3A_223 = arith.addf %add3A_213, %select_n3A_222 : vector<512x13xf32>
    %eq3A_224 = arith.constant 5 : i32
    %eq3A_225 = vector.broadcast %eq3A_224 : i32 to vector<512x13xi32>
    %eq3A_226 = arith.cmpi eq, %get3A_175, %eq3A_225 : vector<512x13xi32>
    %get3A_227 = arith.constant 5 : index
    %get3A_228 = memref.load %arg8[%get3A_227] : memref<14xf32, #tpu.memory_space<smem>>
    %jit3A_229 = arith.constant 0.000000e+00 : f32
    %broadcast_in_dim3A_230 = vector.broadcast %get3A_228 : f32 to vector<512x13xf32>
    %broadcast_in_dim3A_231 = vector.broadcast %jit3A_229 : f32 to vector<512x13xf32>
    %select_n3A_232 = arith.select %eq3A_226, %broadcast_in_dim3A_230, %broadcast_in_dim3A_231 : vector<512x13xi1>, vector<512x13xf32>
    %add3A_233 = arith.addf %add3A_223, %select_n3A_232 : vector<512x13xf32>
    %eq3A_234 = arith.constant 6 : i32
    %eq3A_235 = vector.broadcast %eq3A_234 : i32 to vector<512x13xi32>
    %eq3A_236 = arith.cmpi eq, %get3A_175, %eq3A_235 : vector<512x13xi32>
    %get3A_237 = arith.constant 6 : index
    %get3A_238 = memref.load %arg8[%get3A_237] : memref<14xf32, #tpu.memory_space<smem>>
    %jit3A_239 = arith.constant 0.000000e+00 : f32
    %broadcast_in_dim3A_240 = vector.broadcast %get3A_238 : f32 to vector<512x13xf32>
    %broadcast_in_dim3A_241 = vector.broadcast %jit3A_239 : f32 to vector<512x13xf32>
    %select_n3A_242 = arith.select %eq3A_236, %broadcast_in_dim3A_240, %broadcast_in_dim3A_241 : vector<512x13xi1>, vector<512x13xf32>
    %add3A_243 = arith.addf %add3A_233, %select_n3A_242 : vector<512x13xf32>
    %eq3A_244 = arith.constant 7 : i32
    %eq3A_245 = vector.broadcast %eq3A_244 : i32 to vector<512x13xi32>
    %eq3A_246 = arith.cmpi eq, %get3A_175, %eq3A_245 : vector<512x13xi32>
    %get3A_247 = arith.constant 7 : index
    %get3A_248 = memref.load %arg8[%get3A_247] : memref<14xf32, #tpu.memory_space<smem>>
    %jit3A_249 = arith.constant 0.000000e+00 : f32
    %broadcast_in_dim3A_250 = vector.broadcast %get3A_248 : f32 to vector<512x13xf32>
    %broadcast_in_dim3A_251 = vector.broadcast %jit3A_249 : f32 to vector<512x13xf32>
    %select_n3A_252 = arith.select %eq3A_246, %broadcast_in_dim3A_250, %broadcast_in_dim3A_251 : vector<512x13xi1>, vector<512x13xf32>
    %add3A_253 = arith.addf %add3A_243, %select_n3A_252 : vector<512x13xf32>
    %eq3A_254 = arith.constant 8 : i32
    %eq3A_255 = vector.broadcast %eq3A_254 : i32 to vector<512x13xi32>
    %eq3A_256 = arith.cmpi eq, %get3A_175, %eq3A_255 : vector<512x13xi32>
    %get3A_257 = arith.constant 8 : index
    %get3A_258 = memref.load %arg8[%get3A_257] : memref<14xf32, #tpu.memory_space<smem>>
    %jit3A_259 = arith.constant 0.000000e+00 : f32
    %broadcast_in_dim3A_260 = vector.broadcast %get3A_258 : f32 to vector<512x13xf32>
    %broadcast_in_dim3A_261 = vector.broadcast %jit3A_259 : f32 to vector<512x13xf32>
    %select_n3A_262 = arith.select %eq3A_256, %broadcast_in_dim3A_260, %broadcast_in_dim3A_261 : vector<512x13xi1>, vector<512x13xf32>
    %add3A_263 = arith.addf %add3A_253, %select_n3A_262 : vector<512x13xf32>
    %eq3A_264 = arith.constant 9 : i32
    %eq3A_265 = vector.broadcast %eq3A_264 : i32 to vector<512x13xi32>
    %eq3A_266 = arith.cmpi eq, %get3A_175, %eq3A_265 : vector<512x13xi32>
    %get3A_267 = arith.constant 9 : index
    %get3A_268 = memref.load %arg8[%get3A_267] : memref<14xf32, #tpu.memory_space<smem>>
    %jit3A_269 = arith.constant 0.000000e+00 : f32
    %broadcast_in_dim3A_270 = vector.broadcast %get3A_268 : f32 to vector<512x13xf32>
    %broadcast_in_dim3A_271 = vector.broadcast %jit3A_269 : f32 to vector<512x13xf32>
    %select_n3A_272 = arith.select %eq3A_266, %broadcast_in_dim3A_270, %broadcast_in_dim3A_271 : vector<512x13xi1>, vector<512x13xf32>
    %add3A_273 = arith.addf %add3A_263, %select_n3A_272 : vector<512x13xf32>
    %eq3A_274 = arith.constant 10 : i32
    %eq3A_275 = vector.broadcast %eq3A_274 : i32 to vector<512x13xi32>
    %eq3A_276 = arith.cmpi eq, %get3A_175, %eq3A_275 : vector<512x13xi32>
    %get3A_277 = arith.constant 10 : index
    %get3A_278 = memref.load %arg8[%get3A_277] : memref<14xf32, #tpu.memory_space<smem>>
    %jit3A_279 = arith.constant 0.000000e+00 : f32
    %broadcast_in_dim3A_280 = vector.broadcast %get3A_278 : f32 to vector<512x13xf32>
    %broadcast_in_dim3A_281 = vector.broadcast %jit3A_279 : f32 to vector<512x13xf32>
    %select_n3A_282 = arith.select %eq3A_276, %broadcast_in_dim3A_280, %broadcast_in_dim3A_281 : vector<512x13xi1>, vector<512x13xf32>
    %add3A_283 = arith.addf %add3A_273, %select_n3A_282 : vector<512x13xf32>
    %eq3A_284 = arith.constant 11 : i32
    %eq3A_285 = vector.broadcast %eq3A_284 : i32 to vector<512x13xi32>
    %eq3A_286 = arith.cmpi eq, %get3A_175, %eq3A_285 : vector<512x13xi32>
    %get3A_287 = arith.constant 11 : index
    %get3A_288 = memref.load %arg8[%get3A_287] : memref<14xf32, #tpu.memory_space<smem>>
    %jit3A_289 = arith.constant 0.000000e+00 : f32
    %broadcast_in_dim3A_290 = vector.broadcast %get3A_288 : f32 to vector<512x13xf32>
    %broadcast_in_dim3A_291 = vector.broadcast %jit3A_289 : f32 to vector<512x13xf32>
    %select_n3A_292 = arith.select %eq3A_286, %broadcast_in_dim3A_290, %broadcast_in_dim3A_291 : vector<512x13xi1>, vector<512x13xf32>
    %add3A_293 = arith.addf %add3A_283, %select_n3A_292 : vector<512x13xf32>
    %eq3A_294 = arith.constant 12 : i32
    %eq3A_295 = vector.broadcast %eq3A_294 : i32 to vector<512x13xi32>
    %eq3A_296 = arith.cmpi eq, %get3A_175, %eq3A_295 : vector<512x13xi32>
    %get3A_297 = arith.constant 12 : index
    %get3A_298 = memref.load %arg8[%get3A_297] : memref<14xf32, #tpu.memory_space<smem>>
    %jit3A_299 = arith.constant 0.000000e+00 : f32
    %broadcast_in_dim3A_300 = vector.broadcast %get3A_298 : f32 to vector<512x13xf32>
    %broadcast_in_dim3A_301 = vector.broadcast %jit3A_299 : f32 to vector<512x13xf32>
    %select_n3A_302 = arith.select %eq3A_296, %broadcast_in_dim3A_300, %broadcast_in_dim3A_301 : vector<512x13xi1>, vector<512x13xf32>
    %add3A_303 = arith.addf %add3A_293, %select_n3A_302 : vector<512x13xf32>
    %eq3A_304 = arith.constant 13 : i32
    %eq3A_305 = vector.broadcast %eq3A_304 : i32 to vector<512x13xi32>
    %eq3A_306 = arith.cmpi eq, %get3A_175, %eq3A_305 : vector<512x13xi32>
    %get3A_307 = arith.constant 13 : index
    %get3A_308 = memref.load %arg8[%get3A_307] : memref<14xf32, #tpu.memory_space<smem>>
    %jit3A_309 = arith.constant 0.000000e+00 : f32
    %broadcast_in_dim3A_310 = vector.broadcast %get3A_308 : f32 to vector<512x13xf32>
    %broadcast_in_dim3A_311 = vector.broadcast %jit3A_309 : f32 to vector<512x13xf32>
    %select_n3A_312 = arith.select %eq3A_306, %broadcast_in_dim3A_310, %broadcast_in_dim3A_311 : vector<512x13xi1>, vector<512x13xf32>
    %add3A_313 = arith.addf %add3A_303, %select_n3A_312 : vector<512x13xf32>
    %mul3A_314 = arith.mulf %add3A_313, %slice3A : vector<512x13xf32>
    %reduce_sum3A = arith.constant dense<0.000000e+00> : vector<512xf32>
    %reduce_sum3A_315 = vector.multi_reduction <add>, %mul3A_314, %reduce_sum3A [1] : vector<512x13xf32> to vector<512xf32>
    %broadcast_in_dim3A_316 = vector.shape_cast %reduce_sum3A_315 : vector<512xf32> to vector<512x1xf32>
    %get3A_317 = arith.constant 0 : index
    %get3A_318 = memref.load %arg25[%get3A_317] : memref<1xf32, #tpu.memory_space<smem>>
    %mul3A_319 = vector.broadcast %get3A_318 : f32 to vector<512x1xf32>
    %mul3A_320 = arith.mulf %broadcast_in_dim3A_316, %mul3A_319 : vector<512x1xf32>
    %get3A_321 = arith.constant 0 : index
    %get3A_322 = arith.constant 0 : index
    %get3A_323 = vector.load %arg26[%get3A_321, %get3A_322] : memref<1x16xf32, #tpu.memory_space<vmem>>, vector<1x16xf32>
    %mul3A_324 = vector.broadcast %get3A_323 : vector<1x16xf32> to vector<512x16xf32>
    %mul3A_325 = arith.mulf %mul3A_100, %mul3A_324 : vector<512x16xf32>
    %reduce_sum3A_326 = arith.constant dense<0.000000e+00> : vector<512xf32>
    %reduce_sum3A_327 = vector.multi_reduction <add>, %mul3A_325, %reduce_sum3A_326 [1] : vector<512x16xf32> to vector<512xf32>
    %broadcast_in_dim3A_328 = vector.shape_cast %reduce_sum3A_327 : vector<512xf32> to vector<512x1xf32>
    %add3A_329 = arith.addf %mul3A_320, %broadcast_in_dim3A_328 : vector<512x1xf32>
    %get3A_330 = arith.constant 0 : index
    %get3A_331 = arith.constant 0 : index
    %get3A_332 = vector.load %arg27[%get3A_330, %get3A_331] : memref<1x16xf32, #tpu.memory_space<vmem>>, vector<1x16xf32>
    %mul3A_333 = vector.broadcast %get3A_332 : vector<1x16xf32> to vector<512x16xf32>
    %mul3A_334 = arith.mulf %add3A_172, %mul3A_333 : vector<512x16xf32>
    %reduce_sum3A_335 = arith.constant dense<0.000000e+00> : vector<512xf32>
    %reduce_sum3A_336 = vector.multi_reduction <add>, %mul3A_334, %reduce_sum3A_335 [1] : vector<512x16xf32> to vector<512xf32>
    %broadcast_in_dim3A_337 = vector.shape_cast %reduce_sum3A_336 : vector<512xf32> to vector<512x1xf32>
    %add3A_338 = arith.addf %add3A_329, %broadcast_in_dim3A_337 : vector<512x1xf32>
    %get3A_339 = arith.constant 0 : index
    %get3A_340 = memref.load %arg28[%get3A_339] : memref<1xf32, #tpu.memory_space<smem>>
    %add3A_341 = vector.broadcast %get3A_340 : f32 to vector<512x1xf32>
    %add3A_342 = arith.addf %add3A_338, %add3A_341 : vector<512x1xf32>
    %swap3A = arith.constant 0 : index
    %swap3A_343 = arith.constant 0 : index
    %swap3A_344 = vector.load %arg29[%swap3A, %swap3A_343] : memref<512x1xf32, #tpu.memory_space<vmem>>, vector<512x1xf32>
    tpu.vector_store %arg29[%swap3A, %swap3A_343], %add3A_342 {strides = array<i32>} : memref<512x1xf32, #tpu.memory_space<vmem>>, vector<512x1xf32>,
    return
  }
  func.func @transform_0(%arg0: i32) -> (i32, i32) {
    %c0_i32 = arith.constant 0 : i32
    %c0_i32_0 = arith.constant 0 : i32
    return %arg0, %c0_i32 : i32, i32
  }
  func.func @transform_1(%arg0: i32) -> (i32, i32) {
    %c0_i32 = arith.constant 0 : i32
    %c0_i32_0 = arith.constant 0 : i32
    return %arg0, %c0_i32 : i32, i32
  }
  func.func @transform_2(%arg0: i32) -> (i32, i32) {
    %c0_i32 = arith.constant 0 : i32
    %c0_i32_0 = arith.constant 0 : i32
    return %arg0, %c0_i32 : i32, i32
  }
  func.func @transform_3(%arg0: i32) -> (i32, i32) {
    %c0_i32 = arith.constant 0 : i32
    %c0_i32_0 = arith.constant 0 : i32
    return %arg0, %c0_i32 : i32, i32
  }
  func.func @transform_4(%arg0: i32) -> (i32, i32) {
    %c0_i32 = arith.constant 0 : i32
    %c0_i32_0 = arith.constant 0 : i32
    return %arg0, %c0_i32 : i32, i32
  }
  func.func @transform_5(%arg0: i32) -> (i32, i32) {
    %c0_i32 = arith.constant 0 : i32
    %c0_i32_0 = arith.constant 0 : i32
    return %arg0, %c0_i32 : i32, i32
  }
  func.func @transform_6(%arg0: i32) -> (i32, i32) {
    %c0_i32 = arith.constant 0 : i32
    %c0_i32_0 = arith.constant 0 : i32
    return %arg0, %c0_i32 : i32, i32
  }
  func.func @transform_7(%arg0: i32) -> i32 {
    %c0_i32 = arith.constant 0 : i32
    %c0_i32_0 = arith.constant 0 : i32
    return %c0_i32 : i32
  }
  func.func @transform_8(%arg0: i32) -> (i32, i32) {
    %c0_i32 = arith.constant 0 : i32
    %c0_i32_0 = arith.constant 0 : i32
    %c0_i32_1 = arith.constant 0 : i32
    return %c0_i32, %c0_i32_0 : i32, i32
  }
  func.func @transform_9(%arg0: i32) -> (i32, i32) {
    %c0_i32 = arith.constant 0 : i32
    %c0_i32_0 = arith.constant 0 : i32
    %c0_i32_1 = arith.constant 0 : i32
    return %c0_i32, %c0_i32_0 : i32, i32
  }
  func.func @transform_10(%arg0: i32) -> (i32, i32) {
    %c0_i32 = arith.constant 0 : i32
    %c0_i32_0 = arith.constant 0 : i32
    %c0_i32_1 = arith.constant 0 : i32
    return %c0_i32, %c0_i32_0 : i32, i32
  }
  func.func @transform_11(%arg0: i32) -> (i32, i32) {
    %c0_i32 = arith.constant 0 : i32
    %c0_i32_0 = arith.constant 0 : i32
    %c0_i32_1 = arith.constant 0 : i32
    return %c0_i32, %c0_i32_0 : i32, i32
  }
  func.func @transform_12(%arg0: i32) -> (i32, i32) {
    %c0_i32 = arith.constant 0 : i32
    %c0_i32_0 = arith.constant 0 : i32
    %c0_i32_1 = arith.constant 0 : i32
    return %c0_i32, %c0_i32_0 : i32, i32
  }
  func.func @transform_13(%arg0: i32) -> (i32, i32) {
    %c0_i32 = arith.constant 0 : i32
    %c0_i32_0 = arith.constant 0 : i32
    %c0_i32_1 = arith.constant 0 : i32
    return %c0_i32, %c0_i32_0 : i32, i32
  }
  func.func @transform_14(%arg0: i32) -> (i32, i32) {
    %c0_i32 = arith.constant 0 : i32
    %c0_i32_0 = arith.constant 0 : i32
    %c0_i32_1 = arith.constant 0 : i32
    return %c0_i32, %c0_i32_0 : i32, i32
  }
  func.func @transform_15(%arg0: i32) -> (i32, i32) {
    %c0_i32 = arith.constant 0 : i32
    %c0_i32_0 = arith.constant 0 : i32
    %c0_i32_1 = arith.constant 0 : i32
    return %c0_i32, %c0_i32_0 : i32, i32
  }
  func.func @transform_16(%arg0: i32) -> (i32, i32) {
    %c0_i32 = arith.constant 0 : i32
    %c0_i32_0 = arith.constant 0 : i32
    %c0_i32_1 = arith.constant 0 : i32
    return %c0_i32, %c0_i32_0 : i32, i32
  }
  func.func @transform_17(%arg0: i32) -> (i32, i32) {
    %c0_i32 = arith.constant 0 : i32
    %c0_i32_0 = arith.constant 0 : i32
    %c0_i32_1 = arith.constant 0 : i32
    return %c0_i32, %c0_i32_0 : i32, i32
  }
  func.func @transform_18(%arg0: i32) -> (i32, i32) {
    %c0_i32 = arith.constant 0 : i32
    %c0_i32_0 = arith.constant 0 : i32
    %c0_i32_1 = arith.constant 0 : i32
    return %c0_i32, %c0_i32_0 : i32, i32
  }
  func.func @transform_19(%arg0: i32) -> (i32, i32) {
    %c0_i32 = arith.constant 0 : i32
    %c0_i32_0 = arith.constant 0 : i32
    %c0_i32_1 = arith.constant 0 : i32
    return %c0_i32, %c0_i32_0 : i32, i32
  }
  func.func @transform_20(%arg0: i32) -> (i32, i32) {
    %c0_i32 = arith.constant 0 : i32
    %c0_i32_0 = arith.constant 0 : i32
    %c0_i32_1 = arith.constant 0 : i32
    return %c0_i32, %c0_i32_0 : i32, i32
  }
  func.func @transform_21(%arg0: i32) -> (i32, i32) {
    %c0_i32 = arith.constant 0 : i32
    %c0_i32_0 = arith.constant 0 : i32
    %c0_i32_1 = arith.constant 0 : i32
    return %c0_i32, %c0_i32_0 : i32, i32
  }
  func.func @transform_22(%arg0: i32) -> (i32, i32) {
    %c0_i32 = arith.constant 0 : i32
    %c0_i32_0 = arith.constant 0 : i32
    %c0_i32_1 = arith.constant 0 : i32
    return %c0_i32, %c0_i32_0 : i32, i32
  }
  func.func @transform_23(%arg0: i32) -> (i32, i32) {
    %c0_i32 = arith.constant 0 : i32
    %c0_i32_0 = arith.constant 0 : i32
    %c0_i32_1 = arith.constant 0 : i32
    return %c0_i32, %c0_i32_0 : i32, i32
  }
  func.func @transform_24(%arg0: i32) -> i32 {
    %c0_i32 = arith.constant 0 : i32
    %c0_i32_0 = arith.constant 0 : i32
    return %c0_i32 : i32
  }
  func.func @transform_25(%arg0: i32) -> (i32, i32) {
    %c0_i32 = arith.constant 0 : i32
    %c0_i32_0 = arith.constant 0 : i32
    %c0_i32_1 = arith.constant 0 : i32
    return %c0_i32, %c0_i32_0 : i32, i32
  }
  func.func @transform_26(%arg0: i32) -> (i32, i32) {
    %c0_i32 = arith.constant 0 : i32
    %c0_i32_0 = arith.constant 0 : i32
    %c0_i32_1 = arith.constant 0 : i32
    return %c0_i32, %c0_i32_0 : i32, i32
  }
  func.func @transform_27(%arg0: i32) -> i32 {
    %c0_i32 = arith.constant 0 : i32
    %c0_i32_0 = arith.constant 0 : i32
    return %c0_i32 : i32
  }
  func.func @transform_28(%arg0: i32) -> (i32, i32) {
    %c0_i32 = arith.constant 0 : i32
    %c0_i32_0 = arith.constant 0 : i32
    return %arg0, %c0_i32 : i32, i32
  }
}

</mosaic_0001>

<sc_bundles>
// kernel: kernel.4.cloned.1.call-start
scs
__scs_entry_jumppad:
0x0: {  	(pc) =	sbr.rel $0x88, $3  }
0x1: {  	(tag) =	ssettag $0x0;
	lr =	simm.s32 $0x1  }
0x2: {  	[smem:$0x3F8F] =	sst lr;
	_ =	strace $0xD0000000  }
0x3: {  	_ = 	snop  }
0x4: {  	_ = 	snop  }
0x5: {  	_ = 	snop  }
0x6: {  	_ = 	snop  }
0x7: {  	_ = 	snop  }
__scs_overlays_trampoline_lowered:
0x8: {  	[smem:$0x3F9E] =	sst s0  }
0x9: {  	[smem:$0x3F9F] =	sst s1  }
0xa: {  	[smem:$0x3FA0] =	sst s2  }
0xb: {  	[smem:$0x3FA1] =	sst s3  }
0xc: {  	[smem:$0x3FA2] =	sst s4  }
0xd: {  	[smem:$0x3FA3] =	sst s5  }
0xe: {  	[smem:$0x3FA4] =	sst s6  }
0xf: {  	[smem:$0x3FA5] =	sst s7  }
0x10: {  	[smem:$0x3FA6] =	sst s8  }
0x11: {  	[smem:$0x3FA7] =	sst s9;
	s0 =	simm.s32 @!p0 $0x0  }
0x12: {  	s1 =	sld [smem:$0x3F8D];
	s0 =	simm.s32 @p0 $0x1  }
0x13: {  	[smem:$0x3FA8] =	sst s0;
	s0 =	simm.s32 @!p1 $0x0  }
0x14: {  	s2 =	sld [smem:$0x3F8C];
	s0 =	simm.s32 @p1 $0x1  }
0x15: {  	[smem:$0x3FA9] =	sst s0;
	s0 =	simm.s32 @!p2 $0x0  }
0x16: {  	s3 =	sld [smem:$0x3FDB];
	s0 =	simm.s32 @p2 $0x1  }
0x17: {  	s4 =	simm.s32 $0x1BF5;
	[smem:$0x3FAB] =	sst s0  }
0x18: {  	s0 =	sld [smem:$0x3F8E];
	_ =	swait.ge [sflag:s4], $0x0  }
0x19: {  	s7 =	sld [smem:$0x3F8F]  }
0x1a: {  	s8 =	sadd.s32 $0xFFFFE003, lr  }
0x1b: {  	s9 =	sadd.s32 $0xFFFFFEF7, lr;
	s5 =	simm.s32 $0xFFFFFFFF;
	p2 =	slt.u32 s8, $0xFFFFF086  }
0x1c: {  	p1 =	slt.u32 s9, $0xF7A;
	s5 =	simm.s32 @!p2 $0x0  }
0x1d: {  	s5 =	simm.s32 @p1 $0x1;
	p0 =	seq.s32 s7, s2  }
0x1e: {  	s7 =	smul.u32 @!p0 $0xF7A, s2;
	p2 =	seq.s32 @!p0 s5, $0x0  }
0x1f: {  	s9 =	smul.u32 $0xF7A, s1;
	s8 =	simm.s32 @!p0 $0x1BF5;
	p2 =	por !p2, p0  }
0x20: {  	[sflag:s8] =	ssyncset.s32 @!p0 $0xFFFFF086;
	s6 =	sadd.s32 @!p0 s3, s7;
	s7 =	simm.s32 @!p0 $0x108  }
0x21: {  	s3 =	sadd.s32 s3, s9;
	s6 =	sadd.s32 @!p0 $0x88, s6;
	s7 =	simm.s32 @p2 $0x1082  }
0x22: {  	[simem:s7], [sflag:s8] =	dma.local @!p0 [hbm:s6], $0xF7A  }
0x23: {  	s9 =	sor.u32 $0xD0000000, s2;
	s6 =	simm.s32 $0x108;
	_ =	swait.ge @!p0 [sflag:s8], $0x0  }
0x24: {  	s3 =	sadd.s32 $0x88, s3;
	s6 =	simm.s32 @!p1 $0x1082;
	[sflag:s4] =	ssyncset.s32 $0xFFFFF086  }
0x25: {  	[simem:s6], [sflag:s4] =	dma.local [hbm:s3], $0xF7A  }
0x26: {  	[smem:$0x3F8F] =	sst s1;
	(tag) =	ssettag s2;
	_ =	strace s9  }
0x27: {  	s1 =	sld [smem:$0x3F9F]  }
0x28: {  	s2 =	sld [smem:$0x3FA0]  }
0x29: {  	s4 =	sld [smem:$0x3FA2]  }
0x2a: {  	p0 =	seq.s32 s5, $0x0;
	s5 =	sld [smem:$0x3FA3]  }
0x2b: {  	s6 =	sld [smem:$0x3FA4]  }
0x2c: {  	s7 =	sld [smem:$0x3FA5]  }
0x2d: {  	s3 =	simm.s32 $0x108;
	s8 =	sld [smem:$0x3FA6]  }
0x2e: {  	s3 =	simm.s32 @!p0 $0x1082;
	s9 =	sld [smem:$0x3FA7]  }
0x2f: {  	lr =	sadd.s32 s0, s3;
	s0 =	sld [smem:$0x3F9E]  }
0x30: {  	s3 =	sld [smem:$0x3FA1]  }
0x31: {  	[smem:$0x3FAA] =	sst s10  }
0x32: {  	s10 =	sld [smem:$0x3FA8];
	_ =	sdelay $0x3  }
0x33: {  	p0 =	seq.s32 s10, $0x1;
	s10 =	sld [smem:$0x3FAA];
	_ =	sdelay $0x3  }
0x34: {  	[smem:$0x3FAA] =	sst s10  }
0x35: {  	s10 =	sld [smem:$0x3FA9];
	_ =	sdelay $0x3  }
0x36: {  	p1 =	seq.s32 s10, $0x1;
	s10 =	sld [smem:$0x3FAA];
	_ =	sdelay $0x3  }
0x37: {  	[smem:$0x3FAA] =	sst s10  }
0x38: {  	s10 =	sld [smem:$0x3FAB]  }
0x39: {  	_ = 	snop;
	(pc) =	sbr.ind lr, $3  }
0x3a: {  	_ = 	snop  }
0x3b: {  	_ = 	snop  }
0x3c: {  	p2 =	seq.s32 s10, $0x1;
	s10 =	sld [smem:$0x3FAA]  }
0x3d: {  	_ =	shalt  }
0x3e: {  	_ =	shalt  }
0x3f: {  	_ =	shalt  }
0x40: {  	_ =	shalt  }
0x41: {  	_ =	shalt  }
0x42: {  	_ =	shalt  }
0x43: {  	_ =	shalt  }
0x44: {  	_ =	shalt  }
0x45: {  	_ =	shalt  }
0x46: {  	_ =	shalt  }
0x47: {  	_ =	shalt  }
0x48: {  	_ =	shalt  }
0x49: {  	_ =	shalt  }
0x4a: {  	_ =	shalt  }
0x4b: {  	_ =	shalt  }
0x4c: {  	_ =	shalt  }
0x4d: {  	_ =	shalt  }
0x4e: {  	_ =	shalt  }
0x4f: {  	_ =	shalt  }
0x50: {  	_ =	shalt  }
0x51: {  	_ =	shalt  }
0x52: {  	_ =	shalt  }
0x53: {  	_ =	shalt  }
0x54: {  	_ =	shalt  }
0x55: {  	_ =	shalt  }
0x56: {  	_ =	shalt  }
0x57: {  	_ =	shalt  }
0x58: {  	_ =	shalt  }
0x59: {  	_ =	shalt  }
0x5a: {  	_ =	shalt  }
0x5b: {  	_ =	shalt  }
0x5c: {  	_ =	shalt  }
0x5d: {  	_ =	shalt  }
0x5e: {  	_ =	shalt  }
0x5f: {  	_ =	shalt  }
0x60: {  	_ =	shalt  }
0x61: {  	_ =	shalt  }
0x62: {  	_ =	shalt  }
0x63: {  	_ =	shalt  }
0x64: {  	_ =	shalt  }
0x65: {  	_ =	shalt  }
0x66: {  	_ =	shalt  }
0x67: {  	_ =	shalt  }
0x68: {  	_ =	shalt  }
0x69: {  	_ =	shalt  }
0x6a: {  	_ =	shalt  }
0x6b: {  	_ =	shalt  }
0x6c: {  	_ =	shalt  }
0x6d: {  	_ =	shalt  }
0x6e: {  	_ =	shalt  }
0x6f: {  	_ =	shalt  }
0x70: {  	_ =	shalt  }
0x71: {  	_ =	shalt  }
0x72: {  	_ =	shalt  }
0x73: {  	_ =	shalt  }
0x74: {  	_ =	shalt  }
0x75: {  	_ =	shalt  }
0x76: {  	_ =	shalt  }
0x77: {  	_ =	shalt  }
0x78: {  	_ =	shalt  }
0x79: {  	_ =	shalt  }
0x7a: {  	_ =	shalt  }
0x7b: {  	_ =	shalt  }
0x7c: {  	_ =	shalt  }
0x7d: {  	_ =	shalt  }
0x7e: {  	_ =	shalt  }
0x7f: {  	_ =	shalt  }
0x80: {  	_ =	shalt  }
0x81: {  	_ =	shalt  }
0x82: {  	_ =	shalt  }
0x83: {  	_ =	shalt  }
0x84: {  	_ =	shalt  }
0x85: {  	_ =	shalt  }
0x86: {  	_ =	shalt  }
0x87: {  	_ =	shalt  }
.Lfunc_end0:
.L_simem_size_0:
called_computation_lowered:
.L_overlay_start_0:
0x88: {  	s2 =	sld [smem:$0x3FD9]  }
0x89: {  	s3 =	sld [smem:$0x3FFE];
	_ =	sdelay $0x1  }
0x8a: {  	s1 =	srdreg.scid  }
0x8b: {  	s0 =	sand.u32 $0x1, s1  }
0x8c: {  	s17 =	sshll.u32 s0, $0xA;
	s2 =	sadd.s32 s3, s2  }
0x8d: {  	s2 =	sadd.s32 s2, s17  }
0x8e: {  	[smem:$0x3FB6] =	sst s2  }
0x8f: {  	_ = 	snop  }
0x90: {  	s2 =	sld [smem:$0x3FD0];
	(tm) =	ssettm $0x1  }
0x91: {  	s18 =	sld [smem:$0x3FFB];
	_ =	sdelay $0x3  }
0x92: {  	_ =	strace s18  }
0x93: {  	s3 =	sld [smem:$0x3FFC];
	_ =	sdelay $0x3  }
0x94: {  	_ =	strace s3  }
0x95: {  	s3 =	sld [smem:$0x3FFD];
	_ =	sdelay $0x3  }
0x96: {  	_ =	strace s3  }
0x97: {  	_ =	strace $0x8FFFFFFF  }
0x98: {  	s19 =	sld [smem:$0x3FDB];
	_ =	sdelay $0x1  }
0x99: {  	s4 =	simm.s32 $_scs_section_size  }
0x9a: {  	s5 =	simm.s32 $_size__tile_overlayer_lowered;
	s6 =	simm.s32 $_tile_overlayer_lowered  }
0x9b: {  	s22 =	simm.s32 $0x1BFF;
	s21 =	sshll.u32 s6, $0x1;
	s3 =	sadd.s32 s4, s19  }
0x9c: {  	s7 =	simm.s32 $0x0;
	s20 =	sshll.u32 s5, $0x1;
	s5 =	sadd.s32 s21, s3  }
0x9d: {  	[timem:s7], [sflag:s22] =	dma.local [hbm:s5], s20  }
0x9e: {  	_ =	swait.ge [sflag:s22], s20  }
0x9f: {  	s4 =	ssub.s32 $0x0, s20;
	[sflag:s22] =	ssyncset.done $0x0  }
0xa0: {  	[sflag:s22] =	ssyncadd.s32 s4;
	_ =	sdelay $0x1  }
0xa1: {  	s23 =	simm.s32 $0x1B8B  }
0xa2: {  	_ =	swait.ge [sflag:s23], $0x1  }
0xa3: {  	[sflag:s23] =	ssyncset.done $0x0  }
0xa4: {  	s25 =	simm.s32 $0x1B8E;
	s24 =	sld [smem:$0x3FFE];
	[sflag:s23] =	ssyncadd.s32 $0xFFFFFFFF  }
0xa5: {  	s26 =	simm.s32 $execute0_lowered;
	[smem:$0x3FD2] =	sst s25  }
0xa6: {  	s5 =	sshll.u32 s26, $0x1;
	_ =	strace $0x80000046;
	[dreg:$0x1] =	wrdreg $0xFFFFFFFF  }
0xa7: {  	s28 =	simm.s32 $_size_execute0_lowered;
	s3 =	sadd.s32 s3, s5;
	[dreg:$0x0] =	wrdreg $0x0  }
0xa8: {  	s5 =	sshll.u32 s28, $0x1;
	[dreg:$0x2] =	wrdreg s3  }
0xa9: {  	[dreg:$0x3] =	wrdreg s5  }
0xaa: {  	[dreg:$0x4] =	wrdreg $0xC0  }
0xab: {  	_ =	task [dreg:s7], $0x5FFFF  }
0xac: {  	[dreg:$0x1] =	wrdreg $0xFFFFFFFF  }
0xad: {  	[dreg:$0x0] =	wrdreg $0x60  }
0xae: {  	[dreg:$0x2] =	wrdreg s24  }
0xaf: {  	[dreg:$0x3] =	wrdreg s2  }
0xb0: {  	[dreg:$0x4] =	wrdreg $0x9  }
0xb1: {  	_ =	task.clear_ibuf [dreg:s7], $0x5FFFF;
	_ =	strace $0x90000046  }
0xb2: {  	s29 =	simm.s32 $0x9;
	_ =	strace $0x80000048  }
0xb3: {  	_ =	swait.ge [sflag:s29], $0x1  }
0xb4: {  	[sflag:s29] =	ssyncadd.s32 $0xFFFFFFFF  }
0xb5: {  	_ =	strace $0x90000048  }
0xb6: {  	_ =	sfence  }
0xb7: {  	s30 =	sld [smem:$0x0];
	_ =	sdelay $0x2  }
0xb8: {  	s31 =	sshll.u32 s1, $0xD;
	s1 =	sshrl.u32 s1, $0x2  }
0xb9: {  	s3 =	sand.u32 $0x4000, s31;
	s1 =	sadd.s32 s1, s30  }
0xba: {  	s0 =	sor.u32 s3, s0;
	s1 =	sshll.u32 s1, $0x11  }
0xbb: {  	s0 =	sor.u32 s1, s0  }
0xbc: {  	s0 =	sadd.s32 $0x8F2B, s0  }
0xbd: {  	[sflag:s0] =	ssyncadd.remote.s32 $0x1  }
0xbe: {  	_ =	sfence.sel $0xFFFF  }
0xbf: {  	[dreg:$0x0] =	wrdreg $0xFFFFFFFF;
	(pc) =	sbr.abs _section_cstart, $3  }
0xc0: {  	[dreg:$0x1] =	wrdreg $0xFFFFFFFF  }
0xc1: {  	_ =	task.clear_ibuf [dreg:s7], $0x2FFFF;
	_ =	strace $0x9FFFFFFF  }
0xc2: {  	(tm) =	ssettm $0x7FFFFFFF  }
0xc3: {  	_ =	shalt  }
tec
execute0_lowered:
.L_overlay_start_1:
0x0: {  	(tag) =	ssettag $0x1  }
0x1: {  	s0 =	srdreg.scid;
	s1 =	rddreg [dreg:$0x0]  }
0x2: {  	s2 =	stileid.u32;
	s8 =	rddreg [dreg:$0x1]  }
0x3: {  	s19 =	simm.s32 $0x2;
	s20 =	simm.s32 $0x80;
	s21 =	simm.s32 $0x1  }
0x4: {  	s28 =	simm.s32 $0x1A00;
	s0 =	sand.u32 $0x1, s0;
	s2 =	sshll.u32 s2, $0x1  }
0x5: {  	s29 =	simm.s32 $0x0;
	s16 =	simm.s32 $0x6200;
	s9 =	sor.u32 s0, s2  }
0x6: {  	s18 =	simm.s32 $0x6A00;
	s17 =	simm.s32 $0xA200;
	s3 =	smul.u32 $0x340, s9  }
0x7: {  	s5 =	sadd.s32 $0x52A00, s1;
	s6 =	sadd.s32 $0x53C00, s1;
	s4 =	smul.u32 $0x140, s9  }
0x8: {  	s7 =	sadd.s32 $0x53A00, s1;
	s2 =	simm.s32 $0x0;
	s12 =	smul.u32 $0x3400, s9  }
0x9: {  	s0 =	ssub.s32 $0x2, s0;
	[smem:$0x7FF] =	sst s2;
	s13 =	smul.u32 $0x1400, s9  }
0xa: {  	s14 =	sshll.u32 s9, $0xA;
	s15 =	sshrl.u32 s0, $0x1;
	s9 =	sshll.u32 s9, $0x6  }
0xb: {  	_ =	strace $0x80000047;
	[dreg:$0xe] =	wrdreg s7;
	s0 =	ssub.s32 s0, s15  }
0xc: {  	s8 =	sadd.s32 s8, s9;
	s15 =	simm.s32 $0x9A00;
	s10 =	sadd.s32 s3, s1  }
0xd: {  	s11 =	sadd.s32 s4, s1;
	[dreg:$0xb] =	wrdreg s8;
	s0 =	smax.u32 s0, $0x1  }
0xe: {  	s12 =	sadd.s32 s12, s1;
	s10 =	sadd.s32 $0x4C200, s10;
	[dreg:$0xd] =	wrdreg s0  }
0xf: {  	s3 =	sadd.s32 $0x1D9400, s1;
	s22 =	sadd.s32 $0x53E00, s12;
	[dreg:$0x3] =	wrdreg s10  }
0x10: {  	s13 =	sadd.s32 s13, s1;
	s23 =	sadd.s32 $0x9A00, s11;
	[dreg:$0x4] =	wrdreg s22  }
0x11: {  	s4 =	sadd.s32 $0x53200, s1;
	s24 =	sadd.s32 $0xC3E00, s13;
	[dreg:$0x5] =	wrdreg s23  }
0x12: {  	s1 =	sadd.s32 s14, s1;
	s25 =	sadd.s32 $0x7200, s11;
	[dreg:$0x6] =	wrdreg s24  }
0x13: {  	s14 =	simm.s32 $0x5A00;
	s26 =	sadd.s32 $0xEBE00, s13;
	[dreg:$0x7] =	wrdreg s25  }
0x14: {  	s30 =	sadd.s32 $0x4A00, s11;
	s31 =	sadd.s32 $0x113E00, s13;
	[dreg:$0x8] =	wrdreg s26  }
0x15: {  	s1 =	sadd.s32 $0xBBE00, s1;
	s12 =	simm.s32 $0x5200;
	[dreg:$0x9] =	wrdreg s30  }
0x16: {  	s11 =	simm.s32 $0x8A00;
	s13 =	simm.s32 $0x9200;
	[dreg:$0xa] =	wrdreg s31  }
0x17: {  	[dreg:$0xc] =	wrdreg s1;
	s10 =	simm.s32 $0x4A00;
	s25 =	simm.s32 $0x7200  }
0x18: {  	s26 =	simm.s32 $0x7A00;
	s23 =	simm.s32 $0xAA00;
	s24 =	simm.s32 $0xB200  }
.LBB2_1:
0x19: {  	s0 =	rddreg [dreg:$0x3]  }
0x1a: {  	[tilespmem:s2], [sflag:$0x2] =	stream.linear.gather [hbm4b:s0+s2], $0x1A00, $0x38;
	[tilespmem:$0x1BA00] =	vst v63  }
0x1b: {  	_ =	swait.ge [sflag:s19], $0x1A00  }
0x1c: {  	[sflag:s19] =	ssyncset.done $0x0  }
0x1d: {  	s1 =	simm.s32 $0x0;
	[sflag:s19] =	ssyncadd.s32 $0xFFFFE600  }
0x1e: {  	[tilespmem:s28], [sflag:$0x1] =	stream.indirect.gather [hbm4b:s3+s20], $0x10, s1, s20, $0xb8;
	[tilespmem:$0x1BA00] =	vst v63  }
0x1f: {  	s8 =	simm.s32 $0x2200;
	s30 =	simm.s32 $0x80  }
0x20: {  	[tilespmem:s8], [sflag:$0x1] =	stream.indirect.gather [hbm4b:s3+s20], $0x10, s30, s20, $0xb8;
	[tilespmem:$0x1BA00] =	vst v63  }
0x21: {  	s9 =	simm.s32 $0x2A00;
	s30 =	simm.s32 $0x100  }
0x22: {  	[tilespmem:s9], [sflag:$0x1] =	stream.indirect.gather [hbm4b:s3+s20], $0x10, s30, s20, $0xb8;
	[tilespmem:$0x1BA00] =	vst v63  }
0x23: {  	s22 =	simm.s32 $0x3200;
	s30 =	simm.s32 $0x180  }
0x24: {  	[tilespmem:s22], [sflag:$0x1] =	stream.indirect.gather [hbm4b:s3+s20], $0x10, s30, s20, $0xb8;
	[tilespmem:$0x1BA00] =	vst v63  }
0x25: {  	_ =	swait.ge [sflag:s21], $0x800  }
0x26: {  	[sflag:s21] =	ssyncset.done $0x0  }
0x27: {  	[sflag:s21] =	ssyncadd.s32 $0xFFFFF800  }
0x28: {  	_ =	swait.ge [sflag:s21], $0x800  }
0x29: {  	[sflag:s21] =	ssyncset.done $0x0  }
0x2a: {  	[sflag:s21] =	ssyncadd.s32 $0xFFFFF800  }
0x2b: {  	_ =	swait.ge [sflag:s21], $0x800  }
0x2c: {  	[sflag:s21] =	ssyncset.done $0x0  }
0x2d: {  	[sflag:s21] =	ssyncadd.s32 $0xFFFFF800  }
0x2e: {  	s31 =	simm.s32 $0x800;
	_ =	swait.ge [sflag:s21], $0x800  }
0x2f: {  	s1 =	simm.s32 $0x1000;
	s30 =	simm.s32 $0x3A00;
	[sflag:s21] =	ssyncset.done $0x0  }
.LBB2_2:
0x30: {  	s0 =	sshra.s32 s31, $0x2  }
0x31: {  	[sflag:s21] =	ssyncadd.s32 $0xFFFFF800;
	s31 =	smov.u32 s1;
	s8 =	sadd.s32 $0x800, s1  }
0x32: {  	[tilespmem:s30], [sflag:$0x1] =	stream.indirect.gather [hbm4b:s3+s20], $0x10, s0, s20, $0xb8;
	[tilespmem:$0x1BA00] =	vst v63  }
0x33: {  	p0 =	sne.s32 s1, $0x6000;
	s1 =	sadd.s32 $0x800, s30;
	s9 =	sadd.s32 $0x80, s0  }
0x34: {  	[tilespmem:s1], [sflag:$0x1] =	stream.indirect.gather [hbm4b:s3+s20], $0x10, s9, s20, $0xb8;
	[tilespmem:$0x1BA00] =	vst v63  }
0x35: {  	s1 =	sadd.s32 $0x1000, s30;
	s9 =	sadd.s32 $0x100, s0  }
0x36: {  	[tilespmem:s1], [sflag:$0x1] =	stream.indirect.gather [hbm4b:s3+s20], $0x10, s9, s20, $0xb8;
	[tilespmem:$0x1BA00] =	vst v63  }
0x37: {  	s0 =	sadd.s32 $0x180, s0;
	s1 =	sadd.s32 $0x1800, s30  }
0x38: {  	[tilespmem:s1], [sflag:$0x1] =	stream.indirect.gather [hbm4b:s3+s20], $0x10, s0, s20, $0xb8;
	[tilespmem:$0x1BA00] =	vst v63  }
0x39: {  	_ =	swait.ge [sflag:s21], $0x800  }
0x3a: {  	[sflag:s21] =	ssyncset.done $0x0  }
0x3b: {  	[sflag:s21] =	ssyncadd.s32 $0xFFFFF800  }
0x3c: {  	_ =	swait.ge [sflag:s21], $0x800  }
0x3d: {  	[sflag:s21] =	ssyncset.done $0x0  }
0x3e: {  	[sflag:s21] =	ssyncadd.s32 $0xFFFFF800  }
.Ltmp0:
0x3f: {  	_ =	swait.ge [sflag:s21], $0x800;
	(pc) =	sbr.rel @p0 .LBB2_2-.Ltmp0, $4  }
0x40: {  	[sflag:s21] =	ssyncset.done $0x0  }
0x41: {  	[sflag:s21] =	ssyncadd.s32 $0xFFFFF800  }
0x42: {  	_ =	swait.ge [sflag:s21], $0x800  }
0x43: {  	s30 =	sadd.s32 $0x2000, s30;
	s1 =	smov.u32 s8;
	[sflag:s21] =	ssyncset.done $0x0  }
0x44: {  	s0 =	sshra.s32 s31, $0x2;
	[sflag:s21] =	ssyncadd.s32 $0xFFFFF800  }
0x45: {  	[tilespmem:s30], [sflag:$0x1] =	stream.indirect.gather [hbm4b:s3+s20], $0x10, s0, s20, $0xb8;
	[tilespmem:$0x1BA00] =	vst v63  }
0x46: {  	s1 =	sadd.s32 $0x800, s30;
	s8 =	sadd.s32 $0x80, s0  }
0x47: {  	[tilespmem:s1], [sflag:$0x1] =	stream.indirect.gather [hbm4b:s3+s20], $0x10, s8, s20, $0xb8;
	[tilespmem:$0x1BA00] =	vst v63  }
0x48: {  	s9 =	sadd.s32 $0x1000, s30;
	s22 =	sadd.s32 $0x100, s0  }
0x49: {  	[tilespmem:s9], [sflag:$0x1] =	stream.indirect.gather [hbm4b:s3+s20], $0x10, s22, s20, $0xb8;
	[tilespmem:$0x1BA00] =	vst v63  }
0x4a: {  	s30 =	sadd.s32 $0x1800, s30;
	s0 =	sadd.s32 $0x180, s0  }
0x4b: {  	[tilespmem:s30], [sflag:$0x1] =	stream.indirect.gather [hbm4b:s3+s20], $0x10, s0, s20, $0xb8;
	[tilespmem:$0x1BA00] =	vst v63  }
0x4c: {  	_ =	swait.ge [sflag:s21], $0x800  }
0x4d: {  	[sflag:s21] =	ssyncset.done $0x0  }
0x4e: {  	[sflag:s21] =	ssyncadd.s32 $0xFFFFF800  }
0x4f: {  	_ =	swait.ge [sflag:s21], $0x800  }
0x50: {  	[sflag:s21] =	ssyncset.done $0x0  }
0x51: {  	[sflag:s21] =	ssyncadd.s32 $0xFFFFF800  }
0x52: {  	_ =	swait.ge [sflag:s21], $0x800  }
0x53: {  	[sflag:s21] =	ssyncset.done $0x0  }
0x54: {  	[sflag:s21] =	ssyncadd.s32 $0xFFFFF800  }
0x55: {  	_ =	swait.ge [sflag:s21], $0x800  }
0x56: {  	[sflag:s21] =	ssyncset.done $0x0  }
0x57: {  	s31 =	rddreg [dreg:$0x4];
	[sflag:s21] =	ssyncadd.s32 $0xFFFFF800  }
0x58: {  	[hbm4b:s31+s2] =	stream.linear.scatter [tilespmem:s28], [sflag:$0x2], $0x1A000, $0x38;
	[tilespmem:$0x1BA00] =	vst v63  }
0x59: {  	_ =	swait.ge [sflag:s19], $0x1A000  }
0x5a: {  	[sflag:s19] =	ssyncset.done $0x0  }
0x5b: {  	s1 =	rddreg [dreg:$0x5];
	[sflag:s19] =	ssyncadd.s32 $0xFFFE6000  }
0x5c: {  	[tilespmem:s2], [sflag:$0x2] =	stream.linear.gather [hbm4b:s1+s2], $0xA00, $0x38;
	[tilespmem:$0x1BA00] =	vst v63  }
0x5d: {  	_ =	swait.ge [sflag:s19], $0xA00  }
0x5e: {  	[sflag:s19] =	ssyncset.done $0x0  }
0x5f: {  	[sflag:s19] =	ssyncadd.s32 $0xFFFFF600  }
0x60: {  	[tilespmem:s28], [sflag:$0x1] =	stream.indirect.gather [hbm4b:s4+s20], $0x10, s2, s20, $0xb8;
	[tilespmem:$0x1BA00] =	vst v63  }
0x61: {  	s7 =	simm.s32 $0x2200  }
0x62: {  	[tilespmem:s7], [sflag:$0x1] =	stream.indirect.gather [hbm4b:s4+s20], $0x10, s20, s20, $0xb8;
	[tilespmem:$0x1BA00] =	vst v63  }
0x63: {  	s8 =	simm.s32 $0x100;
	s9 =	simm.s32 $0x2A00  }
0x64: {  	[tilespmem:s9], [sflag:$0x1] =	stream.indirect.gather [hbm4b:s4+s20], $0x10, s8, s20, $0xb8;
	[tilespmem:$0x1BA00] =	vst v63  }
0x65: {  	s22 =	simm.s32 $0x180;
	s30 =	simm.s32 $0x3200  }
0x66: {  	[tilespmem:s30], [sflag:$0x1] =	stream.indirect.gather [hbm4b:s4+s20], $0x10, s22, s20, $0xb8;
	[tilespmem:$0x1BA00] =	vst v63  }
0x67: {  	_ =	swait.ge [sflag:s21], $0x800  }
0x68: {  	[sflag:s21] =	ssyncset.done $0x0  }
0x69: {  	[sflag:s21] =	ssyncadd.s32 $0xFFFFF800  }
0x6a: {  	_ =	swait.ge [sflag:s21], $0x800  }
0x6b: {  	[sflag:s21] =	ssyncset.done $0x0  }
0x6c: {  	[sflag:s21] =	ssyncadd.s32 $0xFFFFF800  }
0x6d: {  	_ =	swait.ge [sflag:s21], $0x800  }
0x6e: {  	[sflag:s21] =	ssyncset.done $0x0  }
0x6f: {  	[sflag:s21] =	ssyncadd.s32 $0xFFFFF800  }
0x70: {  	_ =	swait.ge [sflag:s21], $0x800  }
0x71: {  	[sflag:s21] =	ssyncset.done $0x0  }
0x72: {  	s31 =	simm.s32 $0x200;
	s8 =	simm.s32 $0x3A00;
	[sflag:s21] =	ssyncadd.s32 $0xFFFFF800  }
0x73: {  	[tilespmem:s8], [sflag:$0x1] =	stream.indirect.gather [hbm4b:s4+s20], $0x10, s31, s20, $0xb8;
	[tilespmem:$0x1BA00] =	vst v63  }
0x74: {  	s1 =	simm.s32 $0x280;
	s30 =	simm.s32 $0x4200  }
0x75: {  	[tilespmem:s30], [sflag:$0x1] =	stream.indirect.gather [hbm4b:s4+s20], $0x10, s1, s20, $0xb8;
	[tilespmem:$0x1BA00] =	vst v63  }
0x76: {  	s7 =	simm.s32 $0x300  }
0x77: {  	[tilespmem:s10], [sflag:$0x1] =	stream.indirect.gather [hbm4b:s4+s20], $0x10, s7, s20, $0xb8;
	[tilespmem:$0x1BA00] =	vst v63  }
0x78: {  	s9 =	simm.s32 $0x380  }
0x79: {  	[tilespmem:s12], [sflag:$0x1] =	stream.indirect.gather [hbm4b:s4+s20], $0x10, s9, s20, $0xb8;
	[tilespmem:$0x1BA00] =	vst v63  }
0x7a: {  	_ =	swait.ge [sflag:s21], $0x800  }
0x7b: {  	[sflag:s21] =	ssyncset.done $0x0  }
0x7c: {  	[sflag:s21] =	ssyncadd.s32 $0xFFFFF800  }
0x7d: {  	_ =	swait.ge [sflag:s21], $0x800  }
0x7e: {  	[sflag:s21] =	ssyncset.done $0x0  }
0x7f: {  	[sflag:s21] =	ssyncadd.s32 $0xFFFFF800  }
0x80: {  	_ =	swait.ge [sflag:s21], $0x800  }
0x81: {  	[sflag:s21] =	ssyncset.done $0x0  }
0x82: {  	[sflag:s21] =	ssyncadd.s32 $0xFFFFF800  }
0x83: {  	_ =	swait.ge [sflag:s21], $0x800  }
0x84: {  	[sflag:s21] =	ssyncset.done $0x0  }
0x85: {  	s22 =	simm.s32 $0x400;
	[sflag:s21] =	ssyncadd.s32 $0xFFFFF800  }
0x86: {  	[tilespmem:s14], [sflag:$0x1] =	stream.indirect.gather [hbm4b:s4+s20], $0x10, s22, s20, $0xb8;
	[tilespmem:$0x1BA00] =	vst v63  }
0x87: {  	s31 =	simm.s32 $0x480  }
0x88: {  	[tilespmem:s16], [sflag:$0x1] =	stream.indirect.gather [hbm4b:s4+s20], $0x10, s31, s20, $0xb8;
	[tilespmem:$0x1BA00] =	vst v63  }
0x89: {  	s1 =	simm.s32 $0x500  }
0x8a: {  	[tilespmem:s18], [sflag:$0x1] =	stream.indirect.gather [hbm4b:s4+s20], $0x10, s1, s20, $0xb8;
	[tilespmem:$0x1BA00] =	vst v63  }
0x8b: {  	s7 =	simm.s32 $0x580  }
0x8c: {  	[tilespmem:s25], [sflag:$0x1] =	stream.indirect.gather [hbm4b:s4+s20], $0x10, s7, s20, $0xb8;
	[tilespmem:$0x1BA00] =	vst v63  }
0x8d: {  	_ =	swait.ge [sflag:s21], $0x800  }
0x8e: {  	[sflag:s21] =	ssyncset.done $0x0  }
0x8f: {  	[sflag:s21] =	ssyncadd.s32 $0xFFFFF800  }
0x90: {  	_ =	swait.ge [sflag:s21], $0x800  }
0x91: {  	[sflag:s21] =	ssyncset.done $0x0  }
0x92: {  	[sflag:s21] =	ssyncadd.s32 $0xFFFFF800  }
0x93: {  	_ =	swait.ge [sflag:s21], $0x800  }
0x94: {  	[sflag:s21] =	ssyncset.done $0x0  }
0x95: {  	[sflag:s21] =	ssyncadd.s32 $0xFFFFF800  }
0x96: {  	_ =	swait.ge [sflag:s21], $0x800  }
0x97: {  	[sflag:s21] =	ssyncset.done $0x0  }
0x98: {  	s9 =	simm.s32 $0x600;
	[sflag:s21] =	ssyncadd.s32 $0xFFFFF800  }
0x99: {  	[tilespmem:s26], [sflag:$0x1] =	stream.indirect.gather [hbm4b:s4+s20], $0x10, s9, s20, $0xb8;
	[tilespmem:$0x1BA00] =	vst v63  }
0x9a: {  	s22 =	simm.s32 $0x680;
	s9 =	simm.s32 $0x8200  }
0x9b: {  	[tilespmem:s9], [sflag:$0x1] =	stream.indirect.gather [hbm4b:s4+s20], $0x10, s22, s20, $0xb8;
	[tilespmem:$0x1BA00] =	vst v63  }
0x9c: {  	s31 =	simm.s32 $0x700  }
0x9d: {  	[tilespmem:s11], [sflag:$0x1] =	stream.indirect.gather [hbm4b:s4+s20], $0x10, s31, s20, $0xb8;
	[tilespmem:$0x1BA00] =	vst v63  }
0x9e: {  	s1 =	simm.s32 $0x780  }
0x9f: {  	[tilespmem:s13], [sflag:$0x1] =	stream.indirect.gather [hbm4b:s4+s20], $0x10, s1, s20, $0xb8;
	[tilespmem:$0x1BA00] =	vst v63  }
0xa0: {  	_ =	swait.ge [sflag:s21], $0x800  }
0xa1: {  	[sflag:s21] =	ssyncset.done $0x0  }
0xa2: {  	[sflag:s21] =	ssyncadd.s32 $0xFFFFF800  }
0xa3: {  	_ =	swait.ge [sflag:s21], $0x800  }
0xa4: {  	[sflag:s21] =	ssyncset.done $0x0  }
0xa5: {  	[sflag:s21] =	ssyncadd.s32 $0xFFFFF800  }
0xa6: {  	_ =	swait.ge [sflag:s21], $0x800  }
0xa7: {  	[sflag:s21] =	ssyncset.done $0x0  }
0xa8: {  	[sflag:s21] =	ssyncadd.s32 $0xFFFFF800  }
0xa9: {  	_ =	swait.ge [sflag:s21], $0x800  }
0xaa: {  	[sflag:s21] =	ssyncset.done $0x0  }
0xab: {  	s7 =	simm.s32 $0x800;
	[sflag:s21] =	ssyncadd.s32 $0xFFFFF800  }
0xac: {  	[tilespmem:s15], [sflag:$0x1] =	stream.indirect.gather [hbm4b:s4+s20], $0x10, s7, s20, $0xb8;
	[tilespmem:$0x1BA00] =	vst v63  }
0xad: {  	s22 =	simm.s32 $0x880  }
0xae: {  	[tilespmem:s17], [sflag:$0x1] =	stream.indirect.gather [hbm4b:s4+s20], $0x10, s22, s20, $0xb8;
	[tilespmem:$0x1BA00] =	vst v63  }
0xaf: {  	s31 =	simm.s32 $0x900  }
0xb0: {  	[tilespmem:s23], [sflag:$0x1] =	stream.indirect.gather [hbm4b:s4+s20], $0x10, s31, s20, $0xb8;
	[tilespmem:$0x1BA00] =	vst v63  }
0xb1: {  	s1 =	simm.s32 $0x980  }
0xb2: {  	[tilespmem:s24], [sflag:$0x1] =	stream.indirect.gather [hbm4b:s4+s20], $0x10, s1, s20, $0xb8;
	[tilespmem:$0x1BA00] =	vst v63  }
0xb3: {  	_ =	swait.ge [sflag:s21], $0x800  }
0xb4: {  	[sflag:s21] =	ssyncset.done $0x0  }
0xb5: {  	[sflag:s21] =	ssyncadd.s32 $0xFFFFF800  }
0xb6: {  	_ =	swait.ge [sflag:s21], $0x800  }
0xb7: {  	[sflag:s21] =	ssyncset.done $0x0  }
0xb8: {  	[sflag:s21] =	ssyncadd.s32 $0xFFFFF800  }
0xb9: {  	_ =	swait.ge [sflag:s21], $0x800  }
0xba: {  	[sflag:s21] =	ssyncset.done $0x0  }
0xbb: {  	[sflag:s21] =	ssyncadd.s32 $0xFFFFF800  }
0xbc: {  	_ =	swait.ge [sflag:s21], $0x800  }
0xbd: {  	[sflag:s21] =	ssyncset.done $0x0  }
0xbe: {  	s7 =	rddreg [dreg:$0x6];
	[sflag:s21] =	ssyncadd.s32 $0xFFFFF800  }
0xbf: {  	[hbm4b:s7+s2] =	stream.linear.scatter [tilespmem:s28], [sflag:$0x2], $0xA000, $0x38;
	[tilespmem:$0x1BA00] =	vst v63  }
0xc0: {  	_ =	swait.ge [sflag:s19], $0xA000  }
0xc1: {  	[sflag:s19] =	ssyncset.done $0x0  }
0xc2: {  	s22 =	rddreg [dreg:$0x7];
	[sflag:s19] =	ssyncadd.s32 $0xFFFF6000  }
0xc3: {  	[tilespmem:s2], [sflag:$0x2] =	stream.linear.gather [hbm4b:s22+s2], $0xA00, $0x38;
	[tilespmem:$0x1BA00] =	vst v63  }
0xc4: {  	_ =	swait.ge [sflag:s19], $0xA00  }
0xc5: {  	[sflag:s19] =	ssyncset.done $0x0  }
0xc6: {  	[sflag:s19] =	ssyncadd.s32 $0xFFFFF600  }
0xc7: {  	[tilespmem:s28], [sflag:$0x1] =	stream.indirect.gather [hbm4b:s5+s20], $0x10, s2, s20, $0xb8;
	[tilespmem:$0x1BA00] =	vst v63  }
0xc8: {  	s1 =	simm.s32 $0x2200  }
0xc9: {  	[tilespmem:s1], [sflag:$0x1] =	stream.indirect.gather [hbm4b:s5+s20], $0x10, s20, s20, $0xb8;
	[tilespmem:$0x1BA00] =	vst v63  }
0xca: {  	s7 =	simm.s32 $0x100;
	s22 =	simm.s32 $0x2A00  }
0xcb: {  	[tilespmem:s22], [sflag:$0x1] =	stream.indirect.gather [hbm4b:s5+s20], $0x10, s7, s20, $0xb8;
	[tilespmem:$0x1BA00] =	vst v63  }
0xcc: {  	s0 =	simm.s32 $0x3200;
	s31 =	simm.s32 $0x180  }
0xcd: {  	[tilespmem:s0], [sflag:$0x1] =	stream.indirect.gather [hbm4b:s5+s20], $0x10, s31, s20, $0xb8;
	[tilespmem:$0x1BA00] =	vst v63  }
0xce: {  	_ =	swait.ge [sflag:s21], $0x800  }
0xcf: {  	[sflag:s21] =	ssyncset.done $0x0  }
0xd0: {  	[sflag:s21] =	ssyncadd.s32 $0xFFFFF800  }
0xd1: {  	_ =	swait.ge [sflag:s21], $0x800  }
0xd2: {  	[sflag:s21] =	ssyncset.done $0x0  }
0xd3: {  	[sflag:s21] =	ssyncadd.s32 $0xFFFFF800  }
0xd4: {  	_ =	swait.ge [sflag:s21], $0x800  }
0xd5: {  	[sflag:s21] =	ssyncset.done $0x0  }
0xd6: {  	[sflag:s21] =	ssyncadd.s32 $0xFFFFF800  }
0xd7: {  	_ =	swait.ge [sflag:s21], $0x800  }
0xd8: {  	[sflag:s21] =	ssyncset.done $0x0  }
0xd9: {  	s31 =	simm.s32 $0x200;
	[sflag:s21] =	ssyncadd.s32 $0xFFFFF800  }
0xda: {  	[tilespmem:s8], [sflag:$0x1] =	stream.indirect.gather [hbm4b:s5+s20], $0x10, s31, s20, $0xb8;
	[tilespmem:$0x1BA00] =	vst v63  }
0xdb: {  	s31 =	simm.s32 $0x280  }
0xdc: {  	[tilespmem:s30], [sflag:$0x1] =	stream.indirect.gather [hbm4b:s5+s20], $0x10, s31, s20, $0xb8;
	[tilespmem:$0x1BA00] =	vst v63  }
0xdd: {  	s31 =	simm.s32 $0x300  }
0xde: {  	[tilespmem:s10], [sflag:$0x1] =	stream.indirect.gather [hbm4b:s5+s20], $0x10, s31, s20, $0xb8;
	[tilespmem:$0x1BA00] =	vst v63  }
0xdf: {  	s0 =	simm.s32 $0x380  }
0xe0: {  	[tilespmem:s12], [sflag:$0x1] =	stream.indirect.gather [hbm4b:s5+s20], $0x10, s0, s20, $0xb8;
	[tilespmem:$0x1BA00] =	vst v63  }
0xe1: {  	_ =	swait.ge [sflag:s21], $0x800  }
0xe2: {  	[sflag:s21] =	ssyncset.done $0x0  }
0xe3: {  	[sflag:s21] =	ssyncadd.s32 $0xFFFFF800  }
0xe4: {  	_ =	swait.ge [sflag:s21], $0x800  }
0xe5: {  	[sflag:s21] =	ssyncset.done $0x0  }
0xe6: {  	[sflag:s21] =	ssyncadd.s32 $0xFFFFF800  }
0xe7: {  	_ =	swait.ge [sflag:s21], $0x800  }
0xe8: {  	[sflag:s21] =	ssyncset.done $0x0  }
0xe9: {  	[sflag:s21] =	ssyncadd.s32 $0xFFFFF800  }
0xea: {  	_ =	swait.ge [sflag:s21], $0x800  }
0xeb: {  	[sflag:s21] =	ssyncset.done $0x0  }
0xec: {  	s0 =	simm.s32 $0x400;
	[sflag:s21] =	ssyncadd.s32 $0xFFFFF800  }
0xed: {  	[tilespmem:s14], [sflag:$0x1] =	stream.indirect.gather [hbm4b:s5+s20], $0x10, s0, s20, $0xb8;
	[tilespmem:$0x1BA00] =	vst v63  }
0xee: {  	s0 =	simm.s32 $0x480  }
0xef: {  	[tilespmem:s16], [sflag:$0x1] =	stream.indirect.gather [hbm4b:s5+s20], $0x10, s0, s20, $0xb8;
	[tilespmem:$0x1BA00] =	vst v63  }
0xf0: {  	s0 =	simm.s32 $0x500  }
0xf1: {  	[tilespmem:s18], [sflag:$0x1] =	stream.indirect.gather [hbm4b:s5+s20], $0x10, s0, s20, $0xb8;
	[tilespmem:$0x1BA00] =	vst v63  }
0xf2: {  	s0 =	simm.s32 $0x580  }
0xf3: {  	[tilespmem:s25], [sflag:$0x1] =	stream.indirect.gather [hbm4b:s5+s20], $0x10, s0, s20, $0xb8;
	[tilespmem:$0x1BA00] =	vst v63  }
0xf4: {  	_ =	swait.ge [sflag:s21], $0x800  }
0xf5: {  	[sflag:s21] =	ssyncset.done $0x0  }
0xf6: {  	[sflag:s21] =	ssyncadd.s32 $0xFFFFF800  }
0xf7: {  	_ =	swait.ge [sflag:s21], $0x800  }
0xf8: {  	[sflag:s21] =	ssyncset.done $0x0  }
0xf9: {  	[sflag:s21] =	ssyncadd.s32 $0xFFFFF800  }
0xfa: {  	_ =	swait.ge [sflag:s21], $0x800  }
0xfb: {  	[sflag:s21] =	ssyncset.done $0x0  }
0xfc: {  	[sflag:s21] =	ssyncadd.s32 $0xFFFFF800  }
0xfd: {  	_ =	swait.ge [sflag:s21], $0x800  }
0xfe: {  	[sflag:s21] =	ssyncset.done $0x0  }
0xff: {  	s0 =	simm.s32 $0x600;
	[sflag:s21] =	ssyncadd.s32 $0xFFFFF800  }
0x100: {  	[tilespmem:s26], [sflag:$0x1] =	stream.indirect.gather [hbm4b:s5+s20], $0x10, s0, s20, $0xb8;
	[tilespmem:$0x1BA00] =	vst v63  }
0x101: {  	s0 =	simm.s32 $0x680  }
0x102: {  	[tilespmem:s9], [sflag:$0x1] =	stream.indirect.gather [hbm4b:s5+s20], $0x10, s0, s20, $0xb8;
	[tilespmem:$0x1BA00] =	vst v63  }
0x103: {  	s0 =	simm.s32 $0x700  }
0x104: {  	[tilespmem:s11], [sflag:$0x1] =	stream.indirect.gather [hbm4b:s5+s20], $0x10, s0, s20, $0xb8;
	[tilespmem:$0x1BA00] =	vst v63  }
0x105: {  	s0 =	simm.s32 $0x780  }
0x106: {  	[tilespmem:s13], [sflag:$0x1] =	stream.indirect.gather [hbm4b:s5+s20], $0x10, s0, s20, $0xb8;
	[tilespmem:$0x1BA00] =	vst v63  }
0x107: {  	_ =	swait.ge [sflag:s21], $0x800  }
0x108: {  	[sflag:s21] =	ssyncset.done $0x0  }
0x109: {  	[sflag:s21] =	ssyncadd.s32 $0xFFFFF800  }
0x10a: {  	_ =	swait.ge [sflag:s21], $0x800  }
0x10b: {  	[sflag:s21] =	ssyncset.done $0x0  }
0x10c: {  	[sflag:s21] =	ssyncadd.s32 $0xFFFFF800  }
0x10d: {  	_ =	swait.ge [sflag:s21], $0x800  }
0x10e: {  	[sflag:s21] =	ssyncset.done $0x0  }
0x10f: {  	[sflag:s21] =	ssyncadd.s32 $0xFFFFF800  }
0x110: {  	_ =	swait.ge [sflag:s21], $0x800  }
0x111: {  	[sflag:s21] =	ssyncset.done $0x0  }
0x112: {  	s0 =	simm.s32 $0x800;
	[sflag:s21] =	ssyncadd.s32 $0xFFFFF800  }
0x113: {  	[tilespmem:s15], [sflag:$0x1] =	stream.indirect.gather [hbm4b:s5+s20], $0x10, s0, s20, $0xb8;
	[tilespmem:$0x1BA00] =	vst v63  }
0x114: {  	s0 =	simm.s32 $0x880  }
0x115: {  	[tilespmem:s17], [sflag:$0x1] =	stream.indirect.gather [hbm4b:s5+s20], $0x10, s0, s20, $0xb8;
	[tilespmem:$0x1BA00] =	vst v63  }
0x116: {  	s0 =	simm.s32 $0x900  }
0x117: {  	[tilespmem:s23], [sflag:$0x1] =	stream.indirect.gather [hbm4b:s5+s20], $0x10, s0, s20, $0xb8;
	[tilespmem:$0x1BA00] =	vst v63  }
0x118: {  	s0 =	simm.s32 $0x980  }
0x119: {  	[tilespmem:s24], [sflag:$0x1] =	stream.indirect.gather [hbm4b:s5+s20], $0x10, s0, s20, $0xb8;
	[tilespmem:$0x1BA00] =	vst v63  }
0x11a: {  	_ =	swait.ge [sflag:s21], $0x800  }
0x11b: {  	[sflag:s21] =	ssyncset.done $0x0  }
0x11c: {  	[sflag:s21] =	ssyncadd.s32 $0xFFFFF800  }
0x11d: {  	_ =	swait.ge [sflag:s21], $0x800  }
0x11e: {  	[sflag:s21] =	ssyncset.done $0x0  }
0x11f: {  	[sflag:s21] =	ssyncadd.s32 $0xFFFFF800  }
0x120: {  	_ =	swait.ge [sflag:s21], $0x800  }
0x121: {  	[sflag:s21] =	ssyncset.done $0x0  }
0x122: {  	[sflag:s21] =	ssyncadd.s32 $0xFFFFF800  }
0x123: {  	_ =	swait.ge [sflag:s21], $0x800  }
0x124: {  	[sflag:s21] =	ssyncset.done $0x0  }
0x125: {  	s0 =	rddreg [dreg:$0x8];
	[sflag:s21] =	ssyncadd.s32 $0xFFFFF800  }
0x126: {  	[hbm4b:s0+s2] =	stream.linear.scatter [tilespmem:s28], [sflag:$0x2], $0xA000, $0x38;
	[tilespmem:$0x1BA00] =	vst v63  }
0x127: {  	_ =	swait.ge [sflag:s19], $0xA000  }
0x128: {  	[sflag:s19] =	ssyncset.done $0x0  }
0x129: {  	s0 =	rddreg [dreg:$0x9];
	[sflag:s19] =	ssyncadd.s32 $0xFFFF6000  }
0x12a: {  	[tilespmem:s2], [sflag:$0x2] =	stream.linear.gather [hbm4b:s0+s2], $0xA00, $0x38;
	[tilespmem:$0x1BA00] =	vst v63  }
0x12b: {  	_ =	swait.ge [sflag:s19], $0xA00  }
0x12c: {  	[sflag:s19] =	ssyncset.done $0x0  }
0x12d: {  	[sflag:s19] =	ssyncadd.s32 $0xFFFFF600  }
0x12e: {  	[tilespmem:s28], [sflag:$0x1] =	stream.indirect.gather [hbm4b:s6+s20], $0x10, s2, s20, $0xb8;
	[tilespmem:$0x1BA00] =	vst v63  }
0x12f: {  	_ = 	snop  }
0x130: {  	[tilespmem:s1], [sflag:$0x1] =	stream.indirect.gather [hbm4b:s6+s20], $0x10, s20, s20, $0xb8;
	[tilespmem:$0x1BA00] =	vst v63  }
0x131: {  	_ = 	snop  }
0x132: {  	[tilespmem:s22], [sflag:$0x1] =	stream.indirect.gather [hbm4b:s6+s20], $0x10, s7, s20, $0xb8;
	[tilespmem:$0x1BA00] =	vst v63  }
0x133: {  	s0 =	simm.s32 $0x180;
	s22 =	simm.s32 $0x3200  }
0x134: {  	[tilespmem:s22], [sflag:$0x1] =	stream.indirect.gather [hbm4b:s6+s20], $0x10, s0, s20, $0xb8;
	[tilespmem:$0x1BA00] =	vst v63  }
0x135: {  	_ =	swait.ge [sflag:s21], $0x800  }
0x136: {  	[sflag:s21] =	ssyncset.done $0x0  }
0x137: {  	[sflag:s21] =	ssyncadd.s32 $0xFFFFF800  }
0x138: {  	_ =	swait.ge [sflag:s21], $0x800  }
0x139: {  	[sflag:s21] =	ssyncset.done $0x0  }
0x13a: {  	[sflag:s21] =	ssyncadd.s32 $0xFFFFF800  }
0x13b: {  	_ =	swait.ge [sflag:s21], $0x800  }
0x13c: {  	[sflag:s21] =	ssyncset.done $0x0  }
0x13d: {  	[sflag:s21] =	ssyncadd.s32 $0xFFFFF800  }
0x13e: {  	_ =	swait.ge [sflag:s21], $0x800  }
0x13f: {  	[sflag:s21] =	ssyncset.done $0x0  }
0x140: {  	s0 =	simm.s32 $0x200;
	[sflag:s21] =	ssyncadd.s32 $0xFFFFF800  }
0x141: {  	[tilespmem:s8], [sflag:$0x1] =	stream.indirect.gather [hbm4b:s6+s20], $0x10, s0, s20, $0xb8;
	[tilespmem:$0x1BA00] =	vst v63  }
0x142: {  	s8 =	simm.s32 $0x280  }
0x143: {  	[tilespmem:s30], [sflag:$0x1] =	stream.indirect.gather [hbm4b:s6+s20], $0x10, s8, s20, $0xb8;
	[tilespmem:$0x1BA00] =	vst v63  }
0x144: {  	_ = 	snop  }
0x145: {  	[tilespmem:s10], [sflag:$0x1] =	stream.indirect.gather [hbm4b:s6+s20], $0x10, s31, s20, $0xb8;
	[tilespmem:$0x1BA00] =	vst v63  }
0x146: {  	s30 =	simm.s32 $0x380  }
0x147: {  	[tilespmem:s12], [sflag:$0x1] =	stream.indirect.gather [hbm4b:s6+s20], $0x10, s30, s20, $0xb8;
	[tilespmem:$0x1BA00] =	vst v63  }
0x148: {  	_ =	swait.ge [sflag:s21], $0x800  }
0x149: {  	[sflag:s21] =	ssyncset.done $0x0  }
0x14a: {  	[sflag:s21] =	ssyncadd.s32 $0xFFFFF800  }
0x14b: {  	_ =	swait.ge [sflag:s21], $0x800  }
0x14c: {  	[sflag:s21] =	ssyncset.done $0x0  }
0x14d: {  	[sflag:s21] =	ssyncadd.s32 $0xFFFFF800  }
0x14e: {  	_ =	swait.ge [sflag:s21], $0x800  }
0x14f: {  	[sflag:s21] =	ssyncset.done $0x0  }
0x150: {  	[sflag:s21] =	ssyncadd.s32 $0xFFFFF800  }
0x151: {  	_ =	swait.ge [sflag:s21], $0x800  }
0x152: {  	[sflag:s21] =	ssyncset.done $0x0  }
0x153: {  	s31 =	simm.s32 $0x400;
	[sflag:s21] =	ssyncadd.s32 $0xFFFFF800  }
0x154: {  	[tilespmem:s14], [sflag:$0x1] =	stream.indirect.gather [hbm4b:s6+s20], $0x10, s31, s20, $0xb8;
	[tilespmem:$0x1BA00] =	vst v63  }
0x155: {  	s8 =	simm.s32 $0x480  }
0x156: {  	[tilespmem:s16], [sflag:$0x1] =	stream.indirect.gather [hbm4b:s6+s20], $0x10, s8, s20, $0xb8;
	[tilespmem:$0x1BA00] =	vst v63  }
0x157: {  	s30 =	simm.s32 $0x500  }
0x158: {  	[tilespmem:s18], [sflag:$0x1] =	stream.indirect.gather [hbm4b:s6+s20], $0x10, s30, s20, $0xb8;
	[tilespmem:$0x1BA00] =	vst v63  }
0x159: {  	s31 =	simm.s32 $0x580  }
0x15a: {  	[tilespmem:s25], [sflag:$0x1] =	stream.indirect.gather [hbm4b:s6+s20], $0x10, s31, s20, $0xb8;
	[tilespmem:$0x1BA00] =	vst v63  }
0x15b: {  	_ =	swait.ge [sflag:s21], $0x800  }
0x15c: {  	[sflag:s21] =	ssyncset.done $0x0  }
0x15d: {  	[sflag:s21] =	ssyncadd.s32 $0xFFFFF800  }
0x15e: {  	_ =	swait.ge [sflag:s21], $0x800  }
0x15f: {  	[sflag:s21] =	ssyncset.done $0x0  }
0x160: {  	[sflag:s21] =	ssyncadd.s32 $0xFFFFF800  }
0x161: {  	_ =	swait.ge [sflag:s21], $0x800  }
0x162: {  	[sflag:s21] =	ssyncset.done $0x0  }
0x163: {  	[sflag:s21] =	ssyncadd.s32 $0xFFFFF800  }
0x164: {  	_ =	swait.ge [sflag:s21], $0x800  }
0x165: {  	[sflag:s21] =	ssyncset.done $0x0  }
0x166: {  	s8 =	simm.s32 $0x600;
	[sflag:s21] =	ssyncadd.s32 $0xFFFFF800  }
0x167: {  	[tilespmem:s26], [sflag:$0x1] =	stream.indirect.gather [hbm4b:s6+s20], $0x10, s8, s20, $0xb8;
	[tilespmem:$0x1BA00] =	vst v63  }
0x168: {  	s30 =	simm.s32 $0x680  }
0x169: {  	[tilespmem:s9], [sflag:$0x1] =	stream.indirect.gather [hbm4b:s6+s20], $0x10, s30, s20, $0xb8;
	[tilespmem:$0x1BA00] =	vst v63  }
0x16a: {  	s31 =	simm.s32 $0x700  }
0x16b: {  	[tilespmem:s11], [sflag:$0x1] =	stream.indirect.gather [hbm4b:s6+s20], $0x10, s31, s20, $0xb8;
	[tilespmem:$0x1BA00] =	vst v63  }
0x16c: {  	s8 =	simm.s32 $0x780  }
0x16d: {  	[tilespmem:s13], [sflag:$0x1] =	stream.indirect.gather [hbm4b:s6+s20], $0x10, s8, s20, $0xb8;
	[tilespmem:$0x1BA00] =	vst v63  }
0x16e: {  	_ =	swait.ge [sflag:s21], $0x800  }
0x16f: {  	[sflag:s21] =	ssyncset.done $0x0  }
0x170: {  	[sflag:s21] =	ssyncadd.s32 $0xFFFFF800  }
0x171: {  	_ =	swait.ge [sflag:s21], $0x800  }
0x172: {  	[sflag:s21] =	ssyncset.done $0x0  }
0x173: {  	[sflag:s21] =	ssyncadd.s32 $0xFFFFF800  }
0x174: {  	_ =	swait.ge [sflag:s21], $0x800  }
0x175: {  	[sflag:s21] =	ssyncset.done $0x0  }
0x176: {  	[sflag:s21] =	ssyncadd.s32 $0xFFFFF800  }
0x177: {  	_ =	swait.ge [sflag:s21], $0x800  }
0x178: {  	[sflag:s21] =	ssyncset.done $0x0  }
0x179: {  	s9 =	simm.s32 $0x800;
	[sflag:s21] =	ssyncadd.s32 $0xFFFFF800  }
0x17a: {  	[tilespmem:s15], [sflag:$0x1] =	stream.indirect.gather [hbm4b:s6+s20], $0x10, s9, s20, $0xb8;
	[tilespmem:$0x1BA00] =	vst v63  }
0x17b: {  	s30 =	simm.s32 $0x880  }
0x17c: {  	[tilespmem:s17], [sflag:$0x1] =	stream.indirect.gather [hbm4b:s6+s20], $0x10, s30, s20, $0xb8;
	[tilespmem:$0x1BA00] =	vst v63  }
0x17d: {  	s31 =	simm.s32 $0x900  }
0x17e: {  	[tilespmem:s23], [sflag:$0x1] =	stream.indirect.gather [hbm4b:s6+s20], $0x10, s31, s20, $0xb8;
	[tilespmem:$0x1BA00] =	vst v63  }
0x17f: {  	s8 =	simm.s32 $0x980  }
0x180: {  	[tilespmem:s24], [sflag:$0x1] =	stream.indirect.gather [hbm4b:s6+s20], $0x10, s8, s20, $0xb8;
	[tilespmem:$0x1BA00] =	vst v63  }
0x181: {  	_ =	swait.ge [sflag:s21], $0x800  }
0x182: {  	[sflag:s21] =	ssyncset.done $0x0  }
0x183: {  	[sflag:s21] =	ssyncadd.s32 $0xFFFFF800  }
0x184: {  	_ =	swait.ge [sflag:s21], $0x800  }
0x185: {  	[sflag:s21] =	ssyncset.done $0x0  }
0x186: {  	[sflag:s21] =	ssyncadd.s32 $0xFFFFF800  }
0x187: {  	_ =	swait.ge [sflag:s21], $0x800  }
0x188: {  	[sflag:s21] =	ssyncset.done $0x0  }
0x189: {  	[sflag:s21] =	ssyncadd.s32 $0xFFFFF800  }
0x18a: {  	_ =	swait.ge [sflag:s21], $0x800  }
0x18b: {  	[sflag:s21] =	ssyncset.done $0x0  }
0x18c: {  	s9 =	rddreg [dreg:$0xa];
	[sflag:s21] =	ssyncadd.s32 $0xFFFFF800  }
0x18d: {  	[hbm4b:s9+s2] =	stream.linear.scatter [tilespmem:s28], [sflag:$0x2], $0xA000, $0x38;
	[tilespmem:$0x1BA00] =	vst v63  }
0x18e: {  	_ =	swait.ge [sflag:s19], $0xA000  }
0x18f: {  	[sflag:s19] =	ssyncset.done $0x0  }
0x190: {  	s30 =	rddreg [dreg:$0xb];
	[sflag:s19] =	ssyncadd.s32 $0xFFFF6000  }
0x191: {  	[tilespmem:s2], [sflag:$0x2] =	stream.linear.gather [hbm4b:s30+s2], $0x200, $0x38;
	[tilespmem:$0x1BA00] =	vst v63  }
0x192: {  	_ =	swait.ge [sflag:s19], $0x200  }
0x193: {  	[sflag:s19] =	ssyncset.done $0x0  }
0x194: {  	s31 =	rddreg [dreg:$0xe];
	[sflag:s19] =	ssyncadd.s32 $0xFFFFFE00  }
0x195: {  	[tilespmem:s28], [sflag:$0x1] =	stream.indirect.gather [hbm4b:s31+s20], $0x10, s2, s20, $0xb8;
	[tilespmem:$0x1BA00] =	vst v63  }
0x196: {  	s1 =	simm.s32 $0x2200  }
0x197: {  	[tilespmem:s1], [sflag:$0x1] =	stream.indirect.gather [hbm4b:s31+s20], $0x10, s20, s20, $0xb8;
	[tilespmem:$0x1BA00] =	vst v63  }
0x198: {  	s7 =	simm.s32 $0x100;
	s8 =	simm.s32 $0x2A00  }
0x199: {  	[tilespmem:s8], [sflag:$0x1] =	stream.indirect.gather [hbm4b:s31+s20], $0x10, s7, s20, $0xb8;
	[tilespmem:$0x1BA00] =	vst v63  }
0x19a: {  	s22 =	simm.s32 $0x3200;
	s9 =	simm.s32 $0x180  }
0x19b: {  	[tilespmem:s22], [sflag:$0x1] =	stream.indirect.gather [hbm4b:s31+s20], $0x10, s9, s20, $0xb8;
	[tilespmem:$0x1BA00] =	vst v63  }
0x19c: {  	_ =	swait.ge [sflag:s21], $0x800  }
0x19d: {  	[sflag:s21] =	ssyncset.done $0x0  }
0x19e: {  	[sflag:s21] =	ssyncadd.s32 $0xFFFFF800  }
0x19f: {  	_ =	swait.ge [sflag:s21], $0x800  }
0x1a0: {  	[sflag:s21] =	ssyncset.done $0x0  }
0x1a1: {  	[sflag:s21] =	ssyncadd.s32 $0xFFFFF800  }
0x1a2: {  	_ =	swait.ge [sflag:s21], $0x800  }
0x1a3: {  	[sflag:s21] =	ssyncset.done $0x0  }
0x1a4: {  	[sflag:s21] =	ssyncadd.s32 $0xFFFFF800  }
0x1a5: {  	_ =	swait.ge [sflag:s21], $0x800  }
0x1a6: {  	[sflag:s21] =	ssyncset.done $0x0  }
0x1a7: {  	s30 =	rddreg [dreg:$0xc];
	[sflag:s21] =	ssyncadd.s32 $0xFFFFF800  }
0x1a8: {  	[hbm4b:s30+s2] =	stream.linear.scatter [tilespmem:s28], [sflag:$0x2], $0x2000, $0x38;
	[tilespmem:$0x1BA00] =	vst v63  }
0x1a9: {  	_ =	swait.ge [sflag:s19], $0x2000  }
0x1aa: {  	s29 =	sadd.s32 $0x1, s29;
	s31 =	rddreg [dreg:$0xd]  }
0x1ab: {  	p0 =	sne.s32 s29, s31  }
.Ltmp1:
0x1ac: {  	_ = 	snop;
	(pc) =	sbr.rel @p0 .LBB2_1-.Ltmp1, $3  }
0x1ad: {  	_ =	sdelay $0x1  }
0x1ae: {  	[sflag:s19] =	ssyncset.done $0x0  }
0x1af: {  	[sflag:s19] =	ssyncadd.s32 $0xFFFFE000  }
0x1b0: {  	_ =	sfence.sel $0x180000  }
0x1b1: {  	[bflag:$0x0] =	sbarrier.arrive $0xFFFF  }
0x1b2: {  	_ =	strace $0x90000047  }
0x1b3: {  	s0 =	stileid.u32;
	[bflag:$0x2] =	sbarrier.arrive $0xFFFF  }
0x1b4: {  	p0 =	sne.s32 s0, $0x0;
	s0 =	rddreg [dreg:$0x2]  }
0x1b5: {  	s0 =	sadd.s32 @!p0 $0x100000, s0  }
0x1b6: {  	[sflag:s0] =	ssyncadd.tile.s32 @!p0 $0x1;
	_ =	shalt  }
.Lfunc_end2:
_tile_overlayer_lowered:
.L_overlay_start_2:
0x1b7: {  	(tag) =	ssettag $0x2  }
0x1b8: {  	s0 =	rddreg [dreg:$0x0];
	s2 =	stileid.u32  }
0x1b9: {  	s1 =	rddreg [dreg:$0x1];
	p0 =	sne.s32 s2, $0x0  }
0x1ba: {  	s3 =	rddreg [dreg:$0x2];
	[bflag:$0x3] =	sbarrier.arrive $0xFFFF;
	s2 =	simm.s32 @!p0 $0x1C02  }
0x1bb: {  	[timem:s3], [sflag:s2] =	dma.local @!p0 [hbm:s0], s1  }
0x1bc: {  	s0 =	simm.s32 @!p0 $0x2  }
0x1bd: {  	_ =	swait.ge @!p0 [sflag:s0], s1  }
0x1be: {  	s1 =	ssub.s32 @!p0 $0x0, s1;
	[sflag:s0] =	ssyncset.done @!p0 $0x0  }
0x1bf: {  	[sflag:s0] =	ssyncadd.s32 @!p0 s1  }
0x1c0: {  	[bflag:$0x3] =	sbarrier.arrive $0xFFFF  }
0x1c1: {  	_ =	shalt  }

</sc_bundles>
